<compile_context>
chip_gen: v7x
topology: tpu7x:2x2x1
jax: 0.10.2.dev20260603
libtpu: 0.0.44.dev20260713+nightly
codegen_flags: <defaults>
</compile_context>

<pallas_src>
import jax
import jax.numpy as jnp
from jax import lax
from jax.experimental import pallas as pl
from jax.experimental.pallas import tpu as pltpu
from jax.experimental.pallas import tpu_sc as plsc

BATCH = 16384
N_FIELDS = 26
VOCAB = 1_000_000
NUM_WORKERS = 32
ROWS_PER_W = BATCH // NUM_WORKERS
IDS_PER_W = ROWS_PER_W * N_FIELDS
LANES = 16
CHUNKS = ROWS_PER_W // LANES


def _flat_body(w_ref, ow_ref):
    ow_ref[...] = w_ref[0, :]


def _flatten_w(wt):
    return pl.pallas_call(
        _flat_body,
        in_specs=[pl.BlockSpec((1, VOCAB), lambda: (0, 0))],
        out_specs=pl.BlockSpec((VOCAB,), lambda: (0,)),
        out_shape=jax.ShapeDtypeStruct((VOCAB,), jnp.float32),
    )(wt)


def _sc_body(idx_hbm, w_hbm, bias_hbm, out_hbm, idx_v, g_v, bias_v, acc_v, sem):
    wid = lax.axis_index("s") * 2 + lax.axis_index("c")
    row0 = wid * ROWS_PER_W

    def idx_copy(f):
        return pltpu.async_copy(
            idx_hbm.at[pl.ds(f * BATCH + row0, ROWS_PER_W)],
            idx_v.at[pl.ds(f * ROWS_PER_W, ROWS_PER_W)],
            sem,
        )

    for f in range(N_FIELDS):
        idx_copy(f).start()
    pltpu.sync_copy(bias_hbm, bias_v)
    for f in range(N_FIELDS):
        idx_copy(f).wait()

    pltpu.async_copy(w_hbm.at[idx_v], g_v, sem).wait()

    zeros = jnp.zeros((LANES,), jnp.int32)
    bvec = plsc.load_gather(bias_v, [zeros])

    def chunk_body(c, _):
        b0 = c * LANES
        acc = bvec
        for f in range(N_FIELDS):
            acc = acc + g_v[pl.ds(f * ROWS_PER_W + b0, LANES)]
        acc_v[pl.ds(b0, LANES)] = acc
        return 0

    lax.fori_loop(0, CHUNKS, chunk_body, 0)

    pltpu.sync_copy(acc_v, out_hbm.at[pl.ds(row0, ROWS_PER_W)])


@jax.jit
def _sc_call(idx_flat, w_flat, bias):
    mesh = plsc.VectorSubcoreMesh(core_axis_name="c", subcore_axis_name="s")
    fn = pl.kernel(
        _sc_body,
        out_type=jax.ShapeDtypeStruct((BATCH,), jnp.float32),
        mesh=mesh,
        compiler_params=pltpu.CompilerParams(needs_layout_passes=False),
        scratch_types=[
            pltpu.VMEM((IDS_PER_W,), jnp.int32),
            pltpu.VMEM((IDS_PER_W,), jnp.float32),
            pltpu.VMEM((1,), jnp.float32),
            pltpu.VMEM((ROWS_PER_W,), jnp.float32),
            pltpu.SemaphoreType.DMA,
        ],
    )
    return fn(idx_flat, w_flat, bias)


def kernel(indices, weights, bias):
    w_flat = _flatten_w(lax.transpose(weights, (1, 0)))
    out = _sc_call(indices.T.reshape(-1), w_flat, bias)
    return out.reshape(BATCH, 1)

# --- scband reference (transcript-rebuilt; emitter-appended) ---
"""Pipeline reference for scband-linear-model-43267500539984 (READ-ONLY COPY).

The authoritative reference and input builder live on the scoring server;
editing this copy changes nothing except your own understanding.
"""

import jax, jax.numpy as jnp
import numpy as np

VOCAB = 1_000_000
BATCH = 16384
N_FIELDS = 26
UNITS = 1


def setup_inputs(seed: int = 0) -> dict:
    key = jax.random.key(seed)
    k1, k2 = jax.random.split(key, 2)
    # Sparse categorical feature ids for 26 fields, each drawn from a shared
    # 1M-bucket identity vocabulary (features dict flattened to one int tensor).
    indices = jax.random.randint(k1, (BATCH, N_FIELDS), 0, VOCAB, dtype=jnp.int32)
    # Linear model weights: one weight row per category id per output unit.
    # This is the per-column weight variable created by _LinearModelLayer for a
    # categorical column treated as an indicator column.
    weights = jax.random.normal(k2, (VOCAB, UNITS), dtype=jnp.float32) * 0.01
    # Bias variable of the linear model.
    bias = jnp.zeros((UNITS,), dtype=jnp.float32)
    return {"indices": indices, "weights": weights, "bias": bias}


def reference(indices, weights, bias):
    # LinearModel with categorical columns + sparse_combiner='sum':
    # logits[b, u] = sum_over_fields( w[id_{b,f}, u] ) + bias[u]
    # Each field contributes the weight of the present category (indicator
    # semantics); 'sum' combiner means no normalization within a column, and
    # per-column contributions are summed into the final logits.
    gathered = jnp.take(weights, indices, axis=0)  # [BATCH, N_FIELDS, UNITS]
    logits = jnp.sum(gathered, axis=1) + bias      # [BATCH, UNITS]
    return logits

if __name__ == "__main__":
    import jax
    _d = setup_inputs()
    print(jax.jit(kernel)(*tuple(_d.values())))

</pallas_src>

<mosaic_0001>
#map = affine_map<(d0, d1) -> (0)>
module attributes {stable_mosaic.version = 14 : i64} {
  func.func @_sc_body(%arg0: i32, %arg1: i32, %arg2: memref<425984xi32, #tpu.memory_space<hbm>>, %arg3: memref<1000000xf32, #tpu.memory_space<hbm>>, %arg4: memref<1xf32, #tpu.memory_space<hbm>>, %arg5: memref<16384xf32, #tpu.memory_space<hbm>>, %arg6: memref<13312xi32, #tpu.memory_space<vmem>>, %arg7: memref<13312xf32, #tpu.memory_space<vmem>>, %arg8: memref<1xf32, #tpu.memory_space<vmem>>, %arg9: memref<512xf32, #tpu.memory_space<vmem>>, %arg10: memref<!tpu.dma_semaphore, #tpu.memory_space<semaphore_mem>>) attributes {dimension_semantics = [#tpu.dimension_semantics<core_parallel>, #tpu.dimension_semantics<subcore_parallel>], iteration_bounds = array<i64: 2, 16>, scalar_prefetch = 0 : i64, scratch_operands = 5 : i64, tpu.core_type = #tpu.core_type<sc_vector_subcore>, window_params = [{transform_indices = #map}, {transform_indices = #map}, {transform_indices = #map}, {transform_indices = #map}]} {
    %mul3A = arith.constant 2 : i32
    %mul3A_0 = arith.muli %arg1, %mul3A : i32
    %add3A = arith.addi %mul3A_0, %arg0 : i32
    %mul3A_1 = arith.constant 512 : i32
    %mul3A_2 = arith.muli %add3A, %mul3A_1 : i32
    %add3A_3 = arith.constant 0 : i32
    %add3A_4 = arith.addi %add3A_3, %mul3A_2 : i32
    %dma_start3A = arith.constant 0 : i32
    %dma_start3A_5 = tpu.memref_slice %arg6[%dma_start3A] : memref<13312xi32, #tpu.memory_space<vmem>> -> memref<512xi32, #tpu.memory_space<vmem>>
    %dma_start3A_6 = tpu.memref_slice %arg2[%add3A_4] : memref<425984xi32, #tpu.memory_space<hbm>> -> memref<512xi32, #tpu.memory_space<hbm>>
    %dma_start3A_7 = arith.constant 0 : i32
    %dma_start3A_8 = tpu.memref_slice %arg6[%dma_start3A_7] : memref<13312xi32, #tpu.memory_space<vmem>> -> memref<512xi32, #tpu.memory_space<vmem>>
    %dma_start3A_9 = tpu.memref_slice %arg2[%add3A_4] : memref<425984xi32, #tpu.memory_space<hbm>> -> memref<512xi32, #tpu.memory_space<hbm>>
    tpu.enqueue_dma source(%dma_start3A_9 : memref<512xi32, #tpu.memory_space<hbm>>) target(%dma_start3A_8 : memref<512xi32, #tpu.memory_space<vmem>>) target_semaphore(%arg10 : memref<!tpu.dma_semaphore, #tpu.memory_space<semaphore_mem>>)
    %dma_start3A_10 = arith.constant 0 : i32
    %dma_start3A_11 = tpu.memref_slice %arg6[%dma_start3A_10] : memref<13312xi32, #tpu.memory_space<vmem>> -> memref<512xi32, #tpu.memory_space<vmem>>
    %dma_start3A_12 = tpu.memref_slice %arg2[%add3A_4] : memref<425984xi32, #tpu.memory_space<hbm>> -> memref<512xi32, #tpu.memory_space<hbm>>
    %dma_start3A_13 = arith.constant 0 : i32
    %dma_start3A_14 = tpu.memref_slice %arg6[%dma_start3A_13] : memref<13312xi32, #tpu.memory_space<vmem>> -> memref<512xi32, #tpu.memory_space<vmem>>
    %dma_start3A_15 = tpu.memref_slice %arg2[%add3A_4] : memref<425984xi32, #tpu.memory_space<hbm>> -> memref<512xi32, #tpu.memory_space<hbm>>
    tpu.enqueue_dma source(%dma_start3A_15 : memref<512xi32, #tpu.memory_space<hbm>>) target(%dma_start3A_14 : memref<512xi32, #tpu.memory_space<vmem>>) target_semaphore(%arg10 : memref<!tpu.dma_semaphore, #tpu.memory_space<semaphore_mem>>)
    %add3A_16 = arith.constant 16384 : i32
    %add3A_17 = arith.addi %add3A_16, %mul3A_2 : i32
    %dma_start3A_18 = arith.constant 512 : i32
    %dma_start3A_19 = tpu.memref_slice %arg6[%dma_start3A_18] : memref<13312xi32, #tpu.memory_space<vmem>> -> memref<512xi32, #tpu.memory_space<vmem>>
    %dma_start3A_20 = tpu.memref_slice %arg2[%add3A_17] : memref<425984xi32, #tpu.memory_space<hbm>> -> memref<512xi32, #tpu.memory_space<hbm>>
    %dma_start3A_21 = arith.constant 512 : i32
    %dma_start3A_22 = tpu.memref_slice %arg6[%dma_start3A_21] : memref<13312xi32, #tpu.memory_space<vmem>> -> memref<512xi32, #tpu.memory_space<vmem>>
    %dma_start3A_23 = tpu.memref_slice %arg2[%add3A_17] : memref<425984xi32, #tpu.memory_space<hbm>> -> memref<512xi32, #tpu.memory_space<hbm>>
    tpu.enqueue_dma source(%dma_start3A_23 : memref<512xi32, #tpu.memory_space<hbm>>) target(%dma_start3A_22 : memref<512xi32, #tpu.memory_space<vmem>>) target_semaphore(%arg10 : memref<!tpu.dma_semaphore, #tpu.memory_space<semaphore_mem>>)
    %dma_start3A_24 = arith.constant 512 : i32
    %dma_start3A_25 = tpu.memref_slice %arg6[%dma_start3A_24] : memref<13312xi32, #tpu.memory_space<vmem>> -> memref<512xi32, #tpu.memory_space<vmem>>
    %dma_start3A_26 = tpu.memref_slice %arg2[%add3A_17] : memref<425984xi32, #tpu.memory_space<hbm>> -> memref<512xi32, #tpu.memory_space<hbm>>
    %dma_start3A_27 = arith.constant 512 : i32
    %dma_start3A_28 = tpu.memref_slice %arg6[%dma_start3A_27] : memref<13312xi32, #tpu.memory_space<vmem>> -> memref<512xi32, #tpu.memory_space<vmem>>
    %dma_start3A_29 = tpu.memref_slice %arg2[%add3A_17] : memref<425984xi32, #tpu.memory_space<hbm>> -> memref<512xi32, #tpu.memory_space<hbm>>
    tpu.enqueue_dma source(%dma_start3A_29 : memref<512xi32, #tpu.memory_space<hbm>>) target(%dma_start3A_28 : memref<512xi32, #tpu.memory_space<vmem>>) target_semaphore(%arg10 : memref<!tpu.dma_semaphore, #tpu.memory_space<semaphore_mem>>)
    %add3A_30 = arith.constant 32768 : i32
    %add3A_31 = arith.addi %add3A_30, %mul3A_2 : i32
    %dma_start3A_32 = arith.constant 1024 : i32
    %dma_start3A_33 = tpu.memref_slice %arg6[%dma_start3A_32] : memref<13312xi32, #tpu.memory_space<vmem>> -> memref<512xi32, #tpu.memory_space<vmem>>
    %dma_start3A_34 = tpu.memref_slice %arg2[%add3A_31] : memref<425984xi32, #tpu.memory_space<hbm>> -> memref<512xi32, #tpu.memory_space<hbm>>
    %dma_start3A_35 = arith.constant 1024 : i32
    %dma_start3A_36 = tpu.memref_slice %arg6[%dma_start3A_35] : memref<13312xi32, #tpu.memory_space<vmem>> -> memref<512xi32, #tpu.memory_space<vmem>>
    %dma_start3A_37 = tpu.memref_slice %arg2[%add3A_31] : memref<425984xi32, #tpu.memory_space<hbm>> -> memref<512xi32, #tpu.memory_space<hbm>>
    tpu.enqueue_dma source(%dma_start3A_37 : memref<512xi32, #tpu.memory_space<hbm>>) target(%dma_start3A_36 : memref<512xi32, #tpu.memory_space<vmem>>) target_semaphore(%arg10 : memref<!tpu.dma_semaphore, #tpu.memory_space<semaphore_mem>>)
    %dma_start3A_38 = arith.constant 1024 : i32
    %dma_start3A_39 = tpu.memref_slice %arg6[%dma_start3A_38] : memref<13312xi32, #tpu.memory_space<vmem>> -> memref<512xi32, #tpu.memory_space<vmem>>
    %dma_start3A_40 = tpu.memref_slice %arg2[%add3A_31] : memref<425984xi32, #tpu.memory_space<hbm>> -> memref<512xi32, #tpu.memory_space<hbm>>
    %dma_start3A_41 = arith.constant 1024 : i32
    %dma_start3A_42 = tpu.memref_slice %arg6[%dma_start3A_41] : memref<13312xi32, #tpu.memory_space<vmem>> -> memref<512xi32, #tpu.memory_space<vmem>>
    %dma_start3A_43 = tpu.memref_slice %arg2[%add3A_31] : memref<425984xi32, #tpu.memory_space<hbm>> -> memref<512xi32, #tpu.memory_space<hbm>>
    tpu.enqueue_dma source(%dma_start3A_43 : memref<512xi32, #tpu.memory_space<hbm>>) target(%dma_start3A_42 : memref<512xi32, #tpu.memory_space<vmem>>) target_semaphore(%arg10 : memref<!tpu.dma_semaphore, #tpu.memory_space<semaphore_mem>>)
    %add3A_44 = arith.constant 49152 : i32
    %add3A_45 = arith.addi %add3A_44, %mul3A_2 : i32
    %dma_start3A_46 = arith.constant 1536 : i32
    %dma_start3A_47 = tpu.memref_slice %arg6[%dma_start3A_46] : memref<13312xi32, #tpu.memory_space<vmem>> -> memref<512xi32, #tpu.memory_space<vmem>>
    %dma_start3A_48 = tpu.memref_slice %arg2[%add3A_45] : memref<425984xi32, #tpu.memory_space<hbm>> -> memref<512xi32, #tpu.memory_space<hbm>>
    %dma_start3A_49 = arith.constant 1536 : i32
    %dma_start3A_50 = tpu.memref_slice %arg6[%dma_start3A_49] : memref<13312xi32, #tpu.memory_space<vmem>> -> memref<512xi32, #tpu.memory_space<vmem>>
    %dma_start3A_51 = tpu.memref_slice %arg2[%add3A_45] : memref<425984xi32, #tpu.memory_space<hbm>> -> memref<512xi32, #tpu.memory_space<hbm>>
    tpu.enqueue_dma source(%dma_start3A_51 : memref<512xi32, #tpu.memory_space<hbm>>) target(%dma_start3A_50 : memref<512xi32, #tpu.memory_space<vmem>>) target_semaphore(%arg10 : memref<!tpu.dma_semaphore, #tpu.memory_space<semaphore_mem>>)
    %dma_start3A_52 = arith.constant 1536 : i32
    %dma_start3A_53 = tpu.memref_slice %arg6[%dma_start3A_52] : memref<13312xi32, #tpu.memory_space<vmem>> -> memref<512xi32, #tpu.memory_space<vmem>>
    %dma_start3A_54 = tpu.memref_slice %arg2[%add3A_45] : memref<425984xi32, #tpu.memory_space<hbm>> -> memref<512xi32, #tpu.memory_space<hbm>>
    %dma_start3A_55 = arith.constant 1536 : i32
    %dma_start3A_56 = tpu.memref_slice %arg6[%dma_start3A_55] : memref<13312xi32, #tpu.memory_space<vmem>> -> memref<512xi32, #tpu.memory_space<vmem>>
    %dma_start3A_57 = tpu.memref_slice %arg2[%add3A_45] : memref<425984xi32, #tpu.memory_space<hbm>> -> memref<512xi32, #tpu.memory_space<hbm>>
    tpu.enqueue_dma source(%dma_start3A_57 : memref<512xi32, #tpu.memory_space<hbm>>) target(%dma_start3A_56 : memref<512xi32, #tpu.memory_space<vmem>>) target_semaphore(%arg10 : memref<!tpu.dma_semaphore, #tpu.memory_space<semaphore_mem>>)
    %add3A_58 = arith.constant 65536 : i32
    %add3A_59 = arith.addi %add3A_58, %mul3A_2 : i32
    %dma_start3A_60 = arith.constant 2048 : i32
    %dma_start3A_61 = tpu.memref_slice %arg6[%dma_start3A_60] : memref<13312xi32, #tpu.memory_space<vmem>> -> memref<512xi32, #tpu.memory_space<vmem>>
    %dma_start3A_62 = tpu.memref_slice %arg2[%add3A_59] : memref<425984xi32, #tpu.memory_space<hbm>> -> memref<512xi32, #tpu.memory_space<hbm>>
    %dma_start3A_63 = arith.constant 2048 : i32
    %dma_start3A_64 = tpu.memref_slice %arg6[%dma_start3A_63] : memref<13312xi32, #tpu.memory_space<vmem>> -> memref<512xi32, #tpu.memory_space<vmem>>
    %dma_start3A_65 = tpu.memref_slice %arg2[%add3A_59] : memref<425984xi32, #tpu.memory_space<hbm>> -> memref<512xi32, #tpu.memory_space<hbm>>
    tpu.enqueue_dma source(%dma_start3A_65 : memref<512xi32, #tpu.memory_space<hbm>>) target(%dma_start3A_64 : memref<512xi32, #tpu.memory_space<vmem>>) target_semaphore(%arg10 : memref<!tpu.dma_semaphore, #tpu.memory_space<semaphore_mem>>)
    %dma_start3A_66 = arith.constant 2048 : i32
    %dma_start3A_67 = tpu.memref_slice %arg6[%dma_start3A_66] : memref<13312xi32, #tpu.memory_space<vmem>> -> memref<512xi32, #tpu.memory_space<vmem>>
    %dma_start3A_68 = tpu.memref_slice %arg2[%add3A_59] : memref<425984xi32, #tpu.memory_space<hbm>> -> memref<512xi32, #tpu.memory_space<hbm>>
    %dma_start3A_69 = arith.constant 2048 : i32
    %dma_start3A_70 = tpu.memref_slice %arg6[%dma_start3A_69] : memref<13312xi32, #tpu.memory_space<vmem>> -> memref<512xi32, #tpu.memory_space<vmem>>
    %dma_start3A_71 = tpu.memref_slice %arg2[%add3A_59] : memref<425984xi32, #tpu.memory_space<hbm>> -> memref<512xi32, #tpu.memory_space<hbm>>
    tpu.enqueue_dma source(%dma_start3A_71 : memref<512xi32, #tpu.memory_space<hbm>>) target(%dma_start3A_70 : memref<512xi32, #tpu.memory_space<vmem>>) target_semaphore(%arg10 : memref<!tpu.dma_semaphore, #tpu.memory_space<semaphore_mem>>)
    %add3A_72 = arith.constant 81920 : i32
    %add3A_73 = arith.addi %add3A_72, %mul3A_2 : i32
    %dma_start3A_74 = arith.constant 2560 : i32
    %dma_start3A_75 = tpu.memref_slice %arg6[%dma_start3A_74] : memref<13312xi32, #tpu.memory_space<vmem>> -> memref<512xi32, #tpu.memory_space<vmem>>
    %dma_start3A_76 = tpu.memref_slice %arg2[%add3A_73] : memref<425984xi32, #tpu.memory_space<hbm>> -> memref<512xi32, #tpu.memory_space<hbm>>
    %dma_start3A_77 = arith.constant 2560 : i32
    %dma_start3A_78 = tpu.memref_slice %arg6[%dma_start3A_77] : memref<13312xi32, #tpu.memory_space<vmem>> -> memref<512xi32, #tpu.memory_space<vmem>>
    %dma_start3A_79 = tpu.memref_slice %arg2[%add3A_73] : memref<425984xi32, #tpu.memory_space<hbm>> -> memref<512xi32, #tpu.memory_space<hbm>>
    tpu.enqueue_dma source(%dma_start3A_79 : memref<512xi32, #tpu.memory_space<hbm>>) target(%dma_start3A_78 : memref<512xi32, #tpu.memory_space<vmem>>) target_semaphore(%arg10 : memref<!tpu.dma_semaphore, #tpu.memory_space<semaphore_mem>>)
    %dma_start3A_80 = arith.constant 2560 : i32
    %dma_start3A_81 = tpu.memref_slice %arg6[%dma_start3A_80] : memref<13312xi32, #tpu.memory_space<vmem>> -> memref<512xi32, #tpu.memory_space<vmem>>
    %dma_start3A_82 = tpu.memref_slice %arg2[%add3A_73] : memref<425984xi32, #tpu.memory_space<hbm>> -> memref<512xi32, #tpu.memory_space<hbm>>
    %dma_start3A_83 = arith.constant 2560 : i32
    %dma_start3A_84 = tpu.memref_slice %arg6[%dma_start3A_83] : memref<13312xi32, #tpu.memory_space<vmem>> -> memref<512xi32, #tpu.memory_space<vmem>>
    %dma_start3A_85 = tpu.memref_slice %arg2[%add3A_73] : memref<425984xi32, #tpu.memory_space<hbm>> -> memref<512xi32, #tpu.memory_space<hbm>>
    tpu.enqueue_dma source(%dma_start3A_85 : memref<512xi32, #tpu.memory_space<hbm>>) target(%dma_start3A_84 : memref<512xi32, #tpu.memory_space<vmem>>) target_semaphore(%arg10 : memref<!tpu.dma_semaphore, #tpu.memory_space<semaphore_mem>>)
    %add3A_86 = arith.constant 98304 : i32
    %add3A_87 = arith.addi %add3A_86, %mul3A_2 : i32
    %dma_start3A_88 = arith.constant 3072 : i32
    %dma_start3A_89 = tpu.memref_slice %arg6[%dma_start3A_88] : memref<13312xi32, #tpu.memory_space<vmem>> -> memref<512xi32, #tpu.memory_space<vmem>>
    %dma_start3A_90 = tpu.memref_slice %arg2[%add3A_87] : memref<425984xi32, #tpu.memory_space<hbm>> -> memref<512xi32, #tpu.memory_space<hbm>>
    %dma_start3A_91 = arith.constant 3072 : i32
    %dma_start3A_92 = tpu.memref_slice %arg6[%dma_start3A_91] : memref<13312xi32, #tpu.memory_space<vmem>> -> memref<512xi32, #tpu.memory_space<vmem>>
    %dma_start3A_93 = tpu.memref_slice %arg2[%add3A_87] : memref<425984xi32, #tpu.memory_space<hbm>> -> memref<512xi32, #tpu.memory_space<hbm>>
    tpu.enqueue_dma source(%dma_start3A_93 : memref<512xi32, #tpu.memory_space<hbm>>) target(%dma_start3A_92 : memref<512xi32, #tpu.memory_space<vmem>>) target_semaphore(%arg10 : memref<!tpu.dma_semaphore, #tpu.memory_space<semaphore_mem>>)
    %dma_start3A_94 = arith.constant 3072 : i32
    %dma_start3A_95 = tpu.memref_slice %arg6[%dma_start3A_94] : memref<13312xi32, #tpu.memory_space<vmem>> -> memref<512xi32, #tpu.memory_space<vmem>>
    %dma_start3A_96 = tpu.memref_slice %arg2[%add3A_87] : memref<425984xi32, #tpu.memory_space<hbm>> -> memref<512xi32, #tpu.memory_space<hbm>>
    %dma_start3A_97 = arith.constant 3072 : i32
    %dma_start3A_98 = tpu.memref_slice %arg6[%dma_start3A_97] : memref<13312xi32, #tpu.memory_space<vmem>> -> memref<512xi32, #tpu.memory_space<vmem>>
    %dma_start3A_99 = tpu.memref_slice %arg2[%add3A_87] : memref<425984xi32, #tpu.memory_space<hbm>> -> memref<512xi32, #tpu.memory_space<hbm>>
    tpu.enqueue_dma source(%dma_start3A_99 : memref<512xi32, #tpu.memory_space<hbm>>) target(%dma_start3A_98 : memref<512xi32, #tpu.memory_space<vmem>>) target_semaphore(%arg10 : memref<!tpu.dma_semaphore, #tpu.memory_space<semaphore_mem>>)
    %add3A_100 = arith.constant 114688 : i32
    %add3A_101 = arith.addi %add3A_100, %mul3A_2 : i32
    %dma_start3A_102 = arith.constant 3584 : i32
    %dma_start3A_103 = tpu.memref_slice %arg6[%dma_start3A_102] : memref<13312xi32, #tpu.memory_space<vmem>> -> memref<512xi32, #tpu.memory_space<vmem>>
    %dma_start3A_104 = tpu.memref_slice %arg2[%add3A_101] : memref<425984xi32, #tpu.memory_space<hbm>> -> memref<512xi32, #tpu.memory_space<hbm>>
    %dma_start3A_105 = arith.constant 3584 : i32
    %dma_start3A_106 = tpu.memref_slice %arg6[%dma_start3A_105] : memref<13312xi32, #tpu.memory_space<vmem>> -> memref<512xi32, #tpu.memory_space<vmem>>
    %dma_start3A_107 = tpu.memref_slice %arg2[%add3A_101] : memref<425984xi32, #tpu.memory_space<hbm>> -> memref<512xi32, #tpu.memory_space<hbm>>
    tpu.enqueue_dma source(%dma_start3A_107 : memref<512xi32, #tpu.memory_space<hbm>>) target(%dma_start3A_106 : memref<512xi32, #tpu.memory_space<vmem>>) target_semaphore(%arg10 : memref<!tpu.dma_semaphore, #tpu.memory_space<semaphore_mem>>)
    %dma_start3A_108 = arith.constant 3584 : i32
    %dma_start3A_109 = tpu.memref_slice %arg6[%dma_start3A_108] : memref<13312xi32, #tpu.memory_space<vmem>> -> memref<512xi32, #tpu.memory_space<vmem>>
    %dma_start3A_110 = tpu.memref_slice %arg2[%add3A_101] : memref<425984xi32, #tpu.memory_space<hbm>> -> memref<512xi32, #tpu.memory_space<hbm>>
    %dma_start3A_111 = arith.constant 3584 : i32
    %dma_start3A_112 = tpu.memref_slice %arg6[%dma_start3A_111] : memref<13312xi32, #tpu.memory_space<vmem>> -> memref<512xi32, #tpu.memory_space<vmem>>
    %dma_start3A_113 = tpu.memref_slice %arg2[%add3A_101] : memref<425984xi32, #tpu.memory_space<hbm>> -> memref<512xi32, #tpu.memory_space<hbm>>
    tpu.enqueue_dma source(%dma_start3A_113 : memref<512xi32, #tpu.memory_space<hbm>>) target(%dma_start3A_112 : memref<512xi32, #tpu.memory_space<vmem>>) target_semaphore(%arg10 : memref<!tpu.dma_semaphore, #tpu.memory_space<semaphore_mem>>)
    %add3A_114 = arith.constant 131072 : i32
    %add3A_115 = arith.addi %add3A_114, %mul3A_2 : i32
    %dma_start3A_116 = arith.constant 4096 : i32
    %dma_start3A_117 = tpu.memref_slice %arg6[%dma_start3A_116] : memref<13312xi32, #tpu.memory_space<vmem>> -> memref<512xi32, #tpu.memory_space<vmem>>
    %dma_start3A_118 = tpu.memref_slice %arg2[%add3A_115] : memref<425984xi32, #tpu.memory_space<hbm>> -> memref<512xi32, #tpu.memory_space<hbm>>
    %dma_start3A_119 = arith.constant 4096 : i32
    %dma_start3A_120 = tpu.memref_slice %arg6[%dma_start3A_119] : memref<13312xi32, #tpu.memory_space<vmem>> -> memref<512xi32, #tpu.memory_space<vmem>>
    %dma_start3A_121 = tpu.memref_slice %arg2[%add3A_115] : memref<425984xi32, #tpu.memory_space<hbm>> -> memref<512xi32, #tpu.memory_space<hbm>>
    tpu.enqueue_dma source(%dma_start3A_121 : memref<512xi32, #tpu.memory_space<hbm>>) target(%dma_start3A_120 : memref<512xi32, #tpu.memory_space<vmem>>) target_semaphore(%arg10 : memref<!tpu.dma_semaphore, #tpu.memory_space<semaphore_mem>>)
    %dma_start3A_122 = arith.constant 4096 : i32
    %dma_start3A_123 = tpu.memref_slice %arg6[%dma_start3A_122] : memref<13312xi32, #tpu.memory_space<vmem>> -> memref<512xi32, #tpu.memory_space<vmem>>
    %dma_start3A_124 = tpu.memref_slice %arg2[%add3A_115] : memref<425984xi32, #tpu.memory_space<hbm>> -> memref<512xi32, #tpu.memory_space<hbm>>
    %dma_start3A_125 = arith.constant 4096 : i32
    %dma_start3A_126 = tpu.memref_slice %arg6[%dma_start3A_125] : memref<13312xi32, #tpu.memory_space<vmem>> -> memref<512xi32, #tpu.memory_space<vmem>>
    %dma_start3A_127 = tpu.memref_slice %arg2[%add3A_115] : memref<425984xi32, #tpu.memory_space<hbm>> -> memref<512xi32, #tpu.memory_space<hbm>>
    tpu.enqueue_dma source(%dma_start3A_127 : memref<512xi32, #tpu.memory_space<hbm>>) target(%dma_start3A_126 : memref<512xi32, #tpu.memory_space<vmem>>) target_semaphore(%arg10 : memref<!tpu.dma_semaphore, #tpu.memory_space<semaphore_mem>>)
    %add3A_128 = arith.constant 147456 : i32
    %add3A_129 = arith.addi %add3A_128, %mul3A_2 : i32
    %dma_start3A_130 = arith.constant 4608 : i32
    %dma_start3A_131 = tpu.memref_slice %arg6[%dma_start3A_130] : memref<13312xi32, #tpu.memory_space<vmem>> -> memref<512xi32, #tpu.memory_space<vmem>>
    %dma_start3A_132 = tpu.memref_slice %arg2[%add3A_129] : memref<425984xi32, #tpu.memory_space<hbm>> -> memref<512xi32, #tpu.memory_space<hbm>>
    %dma_start3A_133 = arith.constant 4608 : i32
    %dma_start3A_134 = tpu.memref_slice %arg6[%dma_start3A_133] : memref<13312xi32, #tpu.memory_space<vmem>> -> memref<512xi32, #tpu.memory_space<vmem>>
    %dma_start3A_135 = tpu.memref_slice %arg2[%add3A_129] : memref<425984xi32, #tpu.memory_space<hbm>> -> memref<512xi32, #tpu.memory_space<hbm>>
    tpu.enqueue_dma source(%dma_start3A_135 : memref<512xi32, #tpu.memory_space<hbm>>) target(%dma_start3A_134 : memref<512xi32, #tpu.memory_space<vmem>>) target_semaphore(%arg10 : memref<!tpu.dma_semaphore, #tpu.memory_space<semaphore_mem>>)
    %dma_start3A_136 = arith.constant 4608 : i32
    %dma_start3A_137 = tpu.memref_slice %arg6[%dma_start3A_136] : memref<13312xi32, #tpu.memory_space<vmem>> -> memref<512xi32, #tpu.memory_space<vmem>>
    %dma_start3A_138 = tpu.memref_slice %arg2[%add3A_129] : memref<425984xi32, #tpu.memory_space<hbm>> -> memref<512xi32, #tpu.memory_space<hbm>>
    %dma_start3A_139 = arith.constant 4608 : i32
    %dma_start3A_140 = tpu.memref_slice %arg6[%dma_start3A_139] : memref<13312xi32, #tpu.memory_space<vmem>> -> memref<512xi32, #tpu.memory_space<vmem>>
    %dma_start3A_141 = tpu.memref_slice %arg2[%add3A_129] : memref<425984xi32, #tpu.memory_space<hbm>> -> memref<512xi32, #tpu.memory_space<hbm>>
    tpu.enqueue_dma source(%dma_start3A_141 : memref<512xi32, #tpu.memory_space<hbm>>) target(%dma_start3A_140 : memref<512xi32, #tpu.memory_space<vmem>>) target_semaphore(%arg10 : memref<!tpu.dma_semaphore, #tpu.memory_space<semaphore_mem>>)
    %add3A_142 = arith.constant 163840 : i32
    %add3A_143 = arith.addi %add3A_142, %mul3A_2 : i32
    %dma_start3A_144 = arith.constant 5120 : i32
    %dma_start3A_145 = tpu.memref_slice %arg6[%dma_start3A_144] : memref<13312xi32, #tpu.memory_space<vmem>> -> memref<512xi32, #tpu.memory_space<vmem>>
    %dma_start3A_146 = tpu.memref_slice %arg2[%add3A_143] : memref<425984xi32, #tpu.memory_space<hbm>> -> memref<512xi32, #tpu.memory_space<hbm>>
    %dma_start3A_147 = arith.constant 5120 : i32
    %dma_start3A_148 = tpu.memref_slice %arg6[%dma_start3A_147] : memref<13312xi32, #tpu.memory_space<vmem>> -> memref<512xi32, #tpu.memory_space<vmem>>
    %dma_start3A_149 = tpu.memref_slice %arg2[%add3A_143] : memref<425984xi32, #tpu.memory_space<hbm>> -> memref<512xi32, #tpu.memory_space<hbm>>
    tpu.enqueue_dma source(%dma_start3A_149 : memref<512xi32, #tpu.memory_space<hbm>>) target(%dma_start3A_148 : memref<512xi32, #tpu.memory_space<vmem>>) target_semaphore(%arg10 : memref<!tpu.dma_semaphore, #tpu.memory_space<semaphore_mem>>)
    %dma_start3A_150 = arith.constant 5120 : i32
    %dma_start3A_151 = tpu.memref_slice %arg6[%dma_start3A_150] : memref<13312xi32, #tpu.memory_space<vmem>> -> memref<512xi32, #tpu.memory_space<vmem>>
    %dma_start3A_152 = tpu.memref_slice %arg2[%add3A_143] : memref<425984xi32, #tpu.memory_space<hbm>> -> memref<512xi32, #tpu.memory_space<hbm>>
    %dma_start3A_153 = arith.constant 5120 : i32
    %dma_start3A_154 = tpu.memref_slice %arg6[%dma_start3A_153] : memref<13312xi32, #tpu.memory_space<vmem>> -> memref<512xi32, #tpu.memory_space<vmem>>
    %dma_start3A_155 = tpu.memref_slice %arg2[%add3A_143] : memref<425984xi32, #tpu.memory_space<hbm>> -> memref<512xi32, #tpu.memory_space<hbm>>
    tpu.enqueue_dma source(%dma_start3A_155 : memref<512xi32, #tpu.memory_space<hbm>>) target(%dma_start3A_154 : memref<512xi32, #tpu.memory_space<vmem>>) target_semaphore(%arg10 : memref<!tpu.dma_semaphore, #tpu.memory_space<semaphore_mem>>)
    %add3A_156 = arith.constant 180224 : i32
    %add3A_157 = arith.addi %add3A_156, %mul3A_2 : i32
    %dma_start3A_158 = arith.constant 5632 : i32
    %dma_start3A_159 = tpu.memref_slice %arg6[%dma_start3A_158] : memref<13312xi32, #tpu.memory_space<vmem>> -> memref<512xi32, #tpu.memory_space<vmem>>
    %dma_start3A_160 = tpu.memref_slice %arg2[%add3A_157] : memref<425984xi32, #tpu.memory_space<hbm>> -> memref<512xi32, #tpu.memory_space<hbm>>
    %dma_start3A_161 = arith.constant 5632 : i32
    %dma_start3A_162 = tpu.memref_slice %arg6[%dma_start3A_161] : memref<13312xi32, #tpu.memory_space<vmem>> -> memref<512xi32, #tpu.memory_space<vmem>>
    %dma_start3A_163 = tpu.memref_slice %arg2[%add3A_157] : memref<425984xi32, #tpu.memory_space<hbm>> -> memref<512xi32, #tpu.memory_space<hbm>>
    tpu.enqueue_dma source(%dma_start3A_163 : memref<512xi32, #tpu.memory_space<hbm>>) target(%dma_start3A_162 : memref<512xi32, #tpu.memory_space<vmem>>) target_semaphore(%arg10 : memref<!tpu.dma_semaphore, #tpu.memory_space<semaphore_mem>>)
    %dma_start3A_164 = arith.constant 5632 : i32
    %dma_start3A_165 = tpu.memref_slice %arg6[%dma_start3A_164] : memref<13312xi32, #tpu.memory_space<vmem>> -> memref<512xi32, #tpu.memory_space<vmem>>
    %dma_start3A_166 = tpu.memref_slice %arg2[%add3A_157] : memref<425984xi32, #tpu.memory_space<hbm>> -> memref<512xi32, #tpu.memory_space<hbm>>
    %dma_start3A_167 = arith.constant 5632 : i32
    %dma_start3A_168 = tpu.memref_slice %arg6[%dma_start3A_167] : memref<13312xi32, #tpu.memory_space<vmem>> -> memref<512xi32, #tpu.memory_space<vmem>>
    %dma_start3A_169 = tpu.memref_slice %arg2[%add3A_157] : memref<425984xi32, #tpu.memory_space<hbm>> -> memref<512xi32, #tpu.memory_space<hbm>>
    tpu.enqueue_dma source(%dma_start3A_169 : memref<512xi32, #tpu.memory_space<hbm>>) target(%dma_start3A_168 : memref<512xi32, #tpu.memory_space<vmem>>) target_semaphore(%arg10 : memref<!tpu.dma_semaphore, #tpu.memory_space<semaphore_mem>>)
    %add3A_170 = arith.constant 196608 : i32
    %add3A_171 = arith.addi %add3A_170, %mul3A_2 : i32
    %dma_start3A_172 = arith.constant 6144 : i32
    %dma_start3A_173 = tpu.memref_slice %arg6[%dma_start3A_172] : memref<13312xi32, #tpu.memory_space<vmem>> -> memref<512xi32, #tpu.memory_space<vmem>>
    %dma_start3A_174 = tpu.memref_slice %arg2[%add3A_171] : memref<425984xi32, #tpu.memory_space<hbm>> -> memref<512xi32, #tpu.memory_space<hbm>>
    %dma_start3A_175 = arith.constant 6144 : i32
    %dma_start3A_176 = tpu.memref_slice %arg6[%dma_start3A_175] : memref<13312xi32, #tpu.memory_space<vmem>> -> memref<512xi32, #tpu.memory_space<vmem>>
    %dma_start3A_177 = tpu.memref_slice %arg2[%add3A_171] : memref<425984xi32, #tpu.memory_space<hbm>> -> memref<512xi32, #tpu.memory_space<hbm>>
    tpu.enqueue_dma source(%dma_start3A_177 : memref<512xi32, #tpu.memory_space<hbm>>) target(%dma_start3A_176 : memref<512xi32, #tpu.memory_space<vmem>>) target_semaphore(%arg10 : memref<!tpu.dma_semaphore, #tpu.memory_space<semaphore_mem>>)
    %dma_start3A_178 = arith.constant 6144 : i32
    %dma_start3A_179 = tpu.memref_slice %arg6[%dma_start3A_178] : memref<13312xi32, #tpu.memory_space<vmem>> -> memref<512xi32, #tpu.memory_space<vmem>>
    %dma_start3A_180 = tpu.memref_slice %arg2[%add3A_171] : memref<425984xi32, #tpu.memory_space<hbm>> -> memref<512xi32, #tpu.memory_space<hbm>>
    %dma_start3A_181 = arith.constant 6144 : i32
    %dma_start3A_182 = tpu.memref_slice %arg6[%dma_start3A_181] : memref<13312xi32, #tpu.memory_space<vmem>> -> memref<512xi32, #tpu.memory_space<vmem>>
    %dma_start3A_183 = tpu.memref_slice %arg2[%add3A_171] : memref<425984xi32, #tpu.memory_space<hbm>> -> memref<512xi32, #tpu.memory_space<hbm>>
    tpu.enqueue_dma source(%dma_start3A_183 : memref<512xi32, #tpu.memory_space<hbm>>) target(%dma_start3A_182 : memref<512xi32, #tpu.memory_space<vmem>>) target_semaphore(%arg10 : memref<!tpu.dma_semaphore, #tpu.memory_space<semaphore_mem>>)
    %add3A_184 = arith.constant 212992 : i32
    %add3A_185 = arith.addi %add3A_184, %mul3A_2 : i32
    %dma_start3A_186 = arith.constant 6656 : i32
    %dma_start3A_187 = tpu.memref_slice %arg6[%dma_start3A_186] : memref<13312xi32, #tpu.memory_space<vmem>> -> memref<512xi32, #tpu.memory_space<vmem>>
    %dma_start3A_188 = tpu.memref_slice %arg2[%add3A_185] : memref<425984xi32, #tpu.memory_space<hbm>> -> memref<512xi32, #tpu.memory_space<hbm>>
    %dma_start3A_189 = arith.constant 6656 : i32
    %dma_start3A_190 = tpu.memref_slice %arg6[%dma_start3A_189] : memref<13312xi32, #tpu.memory_space<vmem>> -> memref<512xi32, #tpu.memory_space<vmem>>
    %dma_start3A_191 = tpu.memref_slice %arg2[%add3A_185] : memref<425984xi32, #tpu.memory_space<hbm>> -> memref<512xi32, #tpu.memory_space<hbm>>
    tpu.enqueue_dma source(%dma_start3A_191 : memref<512xi32, #tpu.memory_space<hbm>>) target(%dma_start3A_190 : memref<512xi32, #tpu.memory_space<vmem>>) target_semaphore(%arg10 : memref<!tpu.dma_semaphore, #tpu.memory_space<semaphore_mem>>)
    %dma_start3A_192 = arith.constant 6656 : i32
    %dma_start3A_193 = tpu.memref_slice %arg6[%dma_start3A_192] : memref<13312xi32, #tpu.memory_space<vmem>> -> memref<512xi32, #tpu.memory_space<vmem>>
    %dma_start3A_194 = tpu.memref_slice %arg2[%add3A_185] : memref<425984xi32, #tpu.memory_space<hbm>> -> memref<512xi32, #tpu.memory_space<hbm>>
    %dma_start3A_195 = arith.constant 6656 : i32
    %dma_start3A_196 = tpu.memref_slice %arg6[%dma_start3A_195] : memref<13312xi32, #tpu.memory_space<vmem>> -> memref<512xi32, #tpu.memory_space<vmem>>
    %dma_start3A_197 = tpu.memref_slice %arg2[%add3A_185] : memref<425984xi32, #tpu.memory_space<hbm>> -> memref<512xi32, #tpu.memory_space<hbm>>
    tpu.enqueue_dma source(%dma_start3A_197 : memref<512xi32, #tpu.memory_space<hbm>>) target(%dma_start3A_196 : memref<512xi32, #tpu.memory_space<vmem>>) target_semaphore(%arg10 : memref<!tpu.dma_semaphore, #tpu.memory_space<semaphore_mem>>)
    %add3A_198 = arith.constant 229376 : i32
    %add3A_199 = arith.addi %add3A_198, %mul3A_2 : i32
    %dma_start3A_200 = arith.constant 7168 : i32
    %dma_start3A_201 = tpu.memref_slice %arg6[%dma_start3A_200] : memref<13312xi32, #tpu.memory_space<vmem>> -> memref<512xi32, #tpu.memory_space<vmem>>
    %dma_start3A_202 = tpu.memref_slice %arg2[%add3A_199] : memref<425984xi32, #tpu.memory_space<hbm>> -> memref<512xi32, #tpu.memory_space<hbm>>
    %dma_start3A_203 = arith.constant 7168 : i32
    %dma_start3A_204 = tpu.memref_slice %arg6[%dma_start3A_203] : memref<13312xi32, #tpu.memory_space<vmem>> -> memref<512xi32, #tpu.memory_space<vmem>>
    %dma_start3A_205 = tpu.memref_slice %arg2[%add3A_199] : memref<425984xi32, #tpu.memory_space<hbm>> -> memref<512xi32, #tpu.memory_space<hbm>>
    tpu.enqueue_dma source(%dma_start3A_205 : memref<512xi32, #tpu.memory_space<hbm>>) target(%dma_start3A_204 : memref<512xi32, #tpu.memory_space<vmem>>) target_semaphore(%arg10 : memref<!tpu.dma_semaphore, #tpu.memory_space<semaphore_mem>>)
    %dma_start3A_206 = arith.constant 7168 : i32
    %dma_start3A_207 = tpu.memref_slice %arg6[%dma_start3A_206] : memref<13312xi32, #tpu.memory_space<vmem>> -> memref<512xi32, #tpu.memory_space<vmem>>
    %dma_start3A_208 = tpu.memref_slice %arg2[%add3A_199] : memref<425984xi32, #tpu.memory_space<hbm>> -> memref<512xi32, #tpu.memory_space<hbm>>
    %dma_start3A_209 = arith.constant 7168 : i32
    %dma_start3A_210 = tpu.memref_slice %arg6[%dma_start3A_209] : memref<13312xi32, #tpu.memory_space<vmem>> -> memref<512xi32, #tpu.memory_space<vmem>>
    %dma_start3A_211 = tpu.memref_slice %arg2[%add3A_199] : memref<425984xi32, #tpu.memory_space<hbm>> -> memref<512xi32, #tpu.memory_space<hbm>>
    tpu.enqueue_dma source(%dma_start3A_211 : memref<512xi32, #tpu.memory_space<hbm>>) target(%dma_start3A_210 : memref<512xi32, #tpu.memory_space<vmem>>) target_semaphore(%arg10 : memref<!tpu.dma_semaphore, #tpu.memory_space<semaphore_mem>>)
    %add3A_212 = arith.constant 245760 : i32
    %add3A_213 = arith.addi %add3A_212, %mul3A_2 : i32
    %dma_start3A_214 = arith.constant 7680 : i32
    %dma_start3A_215 = tpu.memref_slice %arg6[%dma_start3A_214] : memref<13312xi32, #tpu.memory_space<vmem>> -> memref<512xi32, #tpu.memory_space<vmem>>
    %dma_start3A_216 = tpu.memref_slice %arg2[%add3A_213] : memref<425984xi32, #tpu.memory_space<hbm>> -> memref<512xi32, #tpu.memory_space<hbm>>
    %dma_start3A_217 = arith.constant 7680 : i32
    %dma_start3A_218 = tpu.memref_slice %arg6[%dma_start3A_217] : memref<13312xi32, #tpu.memory_space<vmem>> -> memref<512xi32, #tpu.memory_space<vmem>>
    %dma_start3A_219 = tpu.memref_slice %arg2[%add3A_213] : memref<425984xi32, #tpu.memory_space<hbm>> -> memref<512xi32, #tpu.memory_space<hbm>>
    tpu.enqueue_dma source(%dma_start3A_219 : memref<512xi32, #tpu.memory_space<hbm>>) target(%dma_start3A_218 : memref<512xi32, #tpu.memory_space<vmem>>) target_semaphore(%arg10 : memref<!tpu.dma_semaphore, #tpu.memory_space<semaphore_mem>>)
    %dma_start3A_220 = arith.constant 7680 : i32
    %dma_start3A_221 = tpu.memref_slice %arg6[%dma_start3A_220] : memref<13312xi32, #tpu.memory_space<vmem>> -> memref<512xi32, #tpu.memory_space<vmem>>
    %dma_start3A_222 = tpu.memref_slice %arg2[%add3A_213] : memref<425984xi32, #tpu.memory_space<hbm>> -> memref<512xi32, #tpu.memory_space<hbm>>
    %dma_start3A_223 = arith.constant 7680 : i32
    %dma_start3A_224 = tpu.memref_slice %arg6[%dma_start3A_223] : memref<13312xi32, #tpu.memory_space<vmem>> -> memref<512xi32, #tpu.memory_space<vmem>>
    %dma_start3A_225 = tpu.memref_slice %arg2[%add3A_213] : memref<425984xi32, #tpu.memory_space<hbm>> -> memref<512xi32, #tpu.memory_space<hbm>>
    tpu.enqueue_dma source(%dma_start3A_225 : memref<512xi32, #tpu.memory_space<hbm>>) target(%dma_start3A_224 : memref<512xi32, #tpu.memory_space<vmem>>) target_semaphore(%arg10 : memref<!tpu.dma_semaphore, #tpu.memory_space<semaphore_mem>>)
    %add3A_226 = arith.constant 262144 : i32
    %add3A_227 = arith.addi %add3A_226, %mul3A_2 : i32
    %dma_start3A_228 = arith.constant 8192 : i32
    %dma_start3A_229 = tpu.memref_slice %arg6[%dma_start3A_228] : memref<13312xi32, #tpu.memory_space<vmem>> -> memref<512xi32, #tpu.memory_space<vmem>>
    %dma_start3A_230 = tpu.memref_slice %arg2[%add3A_227] : memref<425984xi32, #tpu.memory_space<hbm>> -> memref<512xi32, #tpu.memory_space<hbm>>
    %dma_start3A_231 = arith.constant 8192 : i32
    %dma_start3A_232 = tpu.memref_slice %arg6[%dma_start3A_231] : memref<13312xi32, #tpu.memory_space<vmem>> -> memref<512xi32, #tpu.memory_space<vmem>>
    %dma_start3A_233 = tpu.memref_slice %arg2[%add3A_227] : memref<425984xi32, #tpu.memory_space<hbm>> -> memref<512xi32, #tpu.memory_space<hbm>>
    tpu.enqueue_dma source(%dma_start3A_233 : memref<512xi32, #tpu.memory_space<hbm>>) target(%dma_start3A_232 : memref<512xi32, #tpu.memory_space<vmem>>) target_semaphore(%arg10 : memref<!tpu.dma_semaphore, #tpu.memory_space<semaphore_mem>>)
    %dma_start3A_234 = arith.constant 8192 : i32
    %dma_start3A_235 = tpu.memref_slice %arg6[%dma_start3A_234] : memref<13312xi32, #tpu.memory_space<vmem>> -> memref<512xi32, #tpu.memory_space<vmem>>
    %dma_start3A_236 = tpu.memref_slice %arg2[%add3A_227] : memref<425984xi32, #tpu.memory_space<hbm>> -> memref<512xi32, #tpu.memory_space<hbm>>
    %dma_start3A_237 = arith.constant 8192 : i32
    %dma_start3A_238 = tpu.memref_slice %arg6[%dma_start3A_237] : memref<13312xi32, #tpu.memory_space<vmem>> -> memref<512xi32, #tpu.memory_space<vmem>>
    %dma_start3A_239 = tpu.memref_slice %arg2[%add3A_227] : memref<425984xi32, #tpu.memory_space<hbm>> -> memref<512xi32, #tpu.memory_space<hbm>>
    tpu.enqueue_dma source(%dma_start3A_239 : memref<512xi32, #tpu.memory_space<hbm>>) target(%dma_start3A_238 : memref<512xi32, #tpu.memory_space<vmem>>) target_semaphore(%arg10 : memref<!tpu.dma_semaphore, #tpu.memory_space<semaphore_mem>>)
    %add3A_240 = arith.constant 278528 : i32
    %add3A_241 = arith.addi %add3A_240, %mul3A_2 : i32
    %dma_start3A_242 = arith.constant 8704 : i32
    %dma_start3A_243 = tpu.memref_slice %arg6[%dma_start3A_242] : memref<13312xi32, #tpu.memory_space<vmem>> -> memref<512xi32, #tpu.memory_space<vmem>>
    %dma_start3A_244 = tpu.memref_slice %arg2[%add3A_241] : memref<425984xi32, #tpu.memory_space<hbm>> -> memref<512xi32, #tpu.memory_space<hbm>>
    %dma_start3A_245 = arith.constant 8704 : i32
    %dma_start3A_246 = tpu.memref_slice %arg6[%dma_start3A_245] : memref<13312xi32, #tpu.memory_space<vmem>> -> memref<512xi32, #tpu.memory_space<vmem>>
    %dma_start3A_247 = tpu.memref_slice %arg2[%add3A_241] : memref<425984xi32, #tpu.memory_space<hbm>> -> memref<512xi32, #tpu.memory_space<hbm>>
    tpu.enqueue_dma source(%dma_start3A_247 : memref<512xi32, #tpu.memory_space<hbm>>) target(%dma_start3A_246 : memref<512xi32, #tpu.memory_space<vmem>>) target_semaphore(%arg10 : memref<!tpu.dma_semaphore, #tpu.memory_space<semaphore_mem>>)
    %dma_start3A_248 = arith.constant 8704 : i32
    %dma_start3A_249 = tpu.memref_slice %arg6[%dma_start3A_248] : memref<13312xi32, #tpu.memory_space<vmem>> -> memref<512xi32, #tpu.memory_space<vmem>>
    %dma_start3A_250 = tpu.memref_slice %arg2[%add3A_241] : memref<425984xi32, #tpu.memory_space<hbm>> -> memref<512xi32, #tpu.memory_space<hbm>>
    %dma_start3A_251 = arith.constant 8704 : i32
    %dma_start3A_252 = tpu.memref_slice %arg6[%dma_start3A_251] : memref<13312xi32, #tpu.memory_space<vmem>> -> memref<512xi32, #tpu.memory_space<vmem>>
    %dma_start3A_253 = tpu.memref_slice %arg2[%add3A_241] : memref<425984xi32, #tpu.memory_space<hbm>> -> memref<512xi32, #tpu.memory_space<hbm>>
    tpu.enqueue_dma source(%dma_start3A_253 : memref<512xi32, #tpu.memory_space<hbm>>) target(%dma_start3A_252 : memref<512xi32, #tpu.memory_space<vmem>>) target_semaphore(%arg10 : memref<!tpu.dma_semaphore, #tpu.memory_space<semaphore_mem>>)
    %add3A_254 = arith.constant 294912 : i32
    %add3A_255 = arith.addi %add3A_254, %mul3A_2 : i32
    %dma_start3A_256 = arith.constant 9216 : i32
    %dma_start3A_257 = tpu.memref_slice %arg6[%dma_start3A_256] : memref<13312xi32, #tpu.memory_space<vmem>> -> memref<512xi32, #tpu.memory_space<vmem>>
    %dma_start3A_258 = tpu.memref_slice %arg2[%add3A_255] : memref<425984xi32, #tpu.memory_space<hbm>> -> memref<512xi32, #tpu.memory_space<hbm>>
    %dma_start3A_259 = arith.constant 9216 : i32
    %dma_start3A_260 = tpu.memref_slice %arg6[%dma_start3A_259] : memref<13312xi32, #tpu.memory_space<vmem>> -> memref<512xi32, #tpu.memory_space<vmem>>
    %dma_start3A_261 = tpu.memref_slice %arg2[%add3A_255] : memref<425984xi32, #tpu.memory_space<hbm>> -> memref<512xi32, #tpu.memory_space<hbm>>
    tpu.enqueue_dma source(%dma_start3A_261 : memref<512xi32, #tpu.memory_space<hbm>>) target(%dma_start3A_260 : memref<512xi32, #tpu.memory_space<vmem>>) target_semaphore(%arg10 : memref<!tpu.dma_semaphore, #tpu.memory_space<semaphore_mem>>)
    %dma_start3A_262 = arith.constant 9216 : i32
    %dma_start3A_263 = tpu.memref_slice %arg6[%dma_start3A_262] : memref<13312xi32, #tpu.memory_space<vmem>> -> memref<512xi32, #tpu.memory_space<vmem>>
    %dma_start3A_264 = tpu.memref_slice %arg2[%add3A_255] : memref<425984xi32, #tpu.memory_space<hbm>> -> memref<512xi32, #tpu.memory_space<hbm>>
    %dma_start3A_265 = arith.constant 9216 : i32
    %dma_start3A_266 = tpu.memref_slice %arg6[%dma_start3A_265] : memref<13312xi32, #tpu.memory_space<vmem>> -> memref<512xi32, #tpu.memory_space<vmem>>
    %dma_start3A_267 = tpu.memref_slice %arg2[%add3A_255] : memref<425984xi32, #tpu.memory_space<hbm>> -> memref<512xi32, #tpu.memory_space<hbm>>
    tpu.enqueue_dma source(%dma_start3A_267 : memref<512xi32, #tpu.memory_space<hbm>>) target(%dma_start3A_266 : memref<512xi32, #tpu.memory_space<vmem>>) target_semaphore(%arg10 : memref<!tpu.dma_semaphore, #tpu.memory_space<semaphore_mem>>)
    %add3A_268 = arith.constant 311296 : i32
    %add3A_269 = arith.addi %add3A_268, %mul3A_2 : i32
    %dma_start3A_270 = arith.constant 9728 : i32
    %dma_start3A_271 = tpu.memref_slice %arg6[%dma_start3A_270] : memref<13312xi32, #tpu.memory_space<vmem>> -> memref<512xi32, #tpu.memory_space<vmem>>
    %dma_start3A_272 = tpu.memref_slice %arg2[%add3A_269] : memref<425984xi32, #tpu.memory_space<hbm>> -> memref<512xi32, #tpu.memory_space<hbm>>
    %dma_start3A_273 = arith.constant 9728 : i32
    %dma_start3A_274 = tpu.memref_slice %arg6[%dma_start3A_273] : memref<13312xi32, #tpu.memory_space<vmem>> -> memref<512xi32, #tpu.memory_space<vmem>>
    %dma_start3A_275 = tpu.memref_slice %arg2[%add3A_269] : memref<425984xi32, #tpu.memory_space<hbm>> -> memref<512xi32, #tpu.memory_space<hbm>>
    tpu.enqueue_dma source(%dma_start3A_275 : memref<512xi32, #tpu.memory_space<hbm>>) target(%dma_start3A_274 : memref<512xi32, #tpu.memory_space<vmem>>) target_semaphore(%arg10 : memref<!tpu.dma_semaphore, #tpu.memory_space<semaphore_mem>>)
    %dma_start3A_276 = arith.constant 9728 : i32
    %dma_start3A_277 = tpu.memref_slice %arg6[%dma_start3A_276] : memref<13312xi32, #tpu.memory_space<vmem>> -> memref<512xi32, #tpu.memory_space<vmem>>
    %dma_start3A_278 = tpu.memref_slice %arg2[%add3A_269] : memref<425984xi32, #tpu.memory_space<hbm>> -> memref<512xi32, #tpu.memory_space<hbm>>
    %dma_start3A_279 = arith.constant 9728 : i32
    %dma_start3A_280 = tpu.memref_slice %arg6[%dma_start3A_279] : memref<13312xi32, #tpu.memory_space<vmem>> -> memref<512xi32, #tpu.memory_space<vmem>>
    %dma_start3A_281 = tpu.memref_slice %arg2[%add3A_269] : memref<425984xi32, #tpu.memory_space<hbm>> -> memref<512xi32, #tpu.memory_space<hbm>>
    tpu.enqueue_dma source(%dma_start3A_281 : memref<512xi32, #tpu.memory_space<hbm>>) target(%dma_start3A_280 : memref<512xi32, #tpu.memory_space<vmem>>) target_semaphore(%arg10 : memref<!tpu.dma_semaphore, #tpu.memory_space<semaphore_mem>>)
    %add3A_282 = arith.constant 327680 : i32
    %add3A_283 = arith.addi %add3A_282, %mul3A_2 : i32
    %dma_start3A_284 = arith.constant 10240 : i32
    %dma_start3A_285 = tpu.memref_slice %arg6[%dma_start3A_284] : memref<13312xi32, #tpu.memory_space<vmem>> -> memref<512xi32, #tpu.memory_space<vmem>>
    %dma_start3A_286 = tpu.memref_slice %arg2[%add3A_283] : memref<425984xi32, #tpu.memory_space<hbm>> -> memref<512xi32, #tpu.memory_space<hbm>>
    %dma_start3A_287 = arith.constant 10240 : i32
    %dma_start3A_288 = tpu.memref_slice %arg6[%dma_start3A_287] : memref<13312xi32, #tpu.memory_space<vmem>> -> memref<512xi32, #tpu.memory_space<vmem>>
    %dma_start3A_289 = tpu.memref_slice %arg2[%add3A_283] : memref<425984xi32, #tpu.memory_space<hbm>> -> memref<512xi32, #tpu.memory_space<hbm>>
    tpu.enqueue_dma source(%dma_start3A_289 : memref<512xi32, #tpu.memory_space<hbm>>) target(%dma_start3A_288 : memref<512xi32, #tpu.memory_space<vmem>>) target_semaphore(%arg10 : memref<!tpu.dma_semaphore, #tpu.memory_space<semaphore_mem>>)
    %dma_start3A_290 = arith.constant 10240 : i32
    %dma_start3A_291 = tpu.memref_slice %arg6[%dma_start3A_290] : memref<13312xi32, #tpu.memory_space<vmem>> -> memref<512xi32, #tpu.memory_space<vmem>>
    %dma_start3A_292 = tpu.memref_slice %arg2[%add3A_283] : memref<425984xi32, #tpu.memory_space<hbm>> -> memref<512xi32, #tpu.memory_space<hbm>>
    %dma_start3A_293 = arith.constant 10240 : i32
    %dma_start3A_294 = tpu.memref_slice %arg6[%dma_start3A_293] : memref<13312xi32, #tpu.memory_space<vmem>> -> memref<512xi32, #tpu.memory_space<vmem>>
    %dma_start3A_295 = tpu.memref_slice %arg2[%add3A_283] : memref<425984xi32, #tpu.memory_space<hbm>> -> memref<512xi32, #tpu.memory_space<hbm>>
    tpu.enqueue_dma source(%dma_start3A_295 : memref<512xi32, #tpu.memory_space<hbm>>) target(%dma_start3A_294 : memref<512xi32, #tpu.memory_space<vmem>>) target_semaphore(%arg10 : memref<!tpu.dma_semaphore, #tpu.memory_space<semaphore_mem>>)
    %add3A_296 = arith.constant 344064 : i32
    %add3A_297 = arith.addi %add3A_296, %mul3A_2 : i32
    %dma_start3A_298 = arith.constant 10752 : i32
    %dma_start3A_299 = tpu.memref_slice %arg6[%dma_start3A_298] : memref<13312xi32, #tpu.memory_space<vmem>> -> memref<512xi32, #tpu.memory_space<vmem>>
    %dma_start3A_300 = tpu.memref_slice %arg2[%add3A_297] : memref<425984xi32, #tpu.memory_space<hbm>> -> memref<512xi32, #tpu.memory_space<hbm>>
    %dma_start3A_301 = arith.constant 10752 : i32
    %dma_start3A_302 = tpu.memref_slice %arg6[%dma_start3A_301] : memref<13312xi32, #tpu.memory_space<vmem>> -> memref<512xi32, #tpu.memory_space<vmem>>
    %dma_start3A_303 = tpu.memref_slice %arg2[%add3A_297] : memref<425984xi32, #tpu.memory_space<hbm>> -> memref<512xi32, #tpu.memory_space<hbm>>
    tpu.enqueue_dma source(%dma_start3A_303 : memref<512xi32, #tpu.memory_space<hbm>>) target(%dma_start3A_302 : memref<512xi32, #tpu.memory_space<vmem>>) target_semaphore(%arg10 : memref<!tpu.dma_semaphore, #tpu.memory_space<semaphore_mem>>)
    %dma_start3A_304 = arith.constant 10752 : i32
    %dma_start3A_305 = tpu.memref_slice %arg6[%dma_start3A_304] : memref<13312xi32, #tpu.memory_space<vmem>> -> memref<512xi32, #tpu.memory_space<vmem>>
    %dma_start3A_306 = tpu.memref_slice %arg2[%add3A_297] : memref<425984xi32, #tpu.memory_space<hbm>> -> memref<512xi32, #tpu.memory_space<hbm>>
    %dma_start3A_307 = arith.constant 10752 : i32
    %dma_start3A_308 = tpu.memref_slice %arg6[%dma_start3A_307] : memref<13312xi32, #tpu.memory_space<vmem>> -> memref<512xi32, #tpu.memory_space<vmem>>
    %dma_start3A_309 = tpu.memref_slice %arg2[%add3A_297] : memref<425984xi32, #tpu.memory_space<hbm>> -> memref<512xi32, #tpu.memory_space<hbm>>
    tpu.enqueue_dma source(%dma_start3A_309 : memref<512xi32, #tpu.memory_space<hbm>>) target(%dma_start3A_308 : memref<512xi32, #tpu.memory_space<vmem>>) target_semaphore(%arg10 : memref<!tpu.dma_semaphore, #tpu.memory_space<semaphore_mem>>)
    %add3A_310 = arith.constant 360448 : i32
    %add3A_311 = arith.addi %add3A_310, %mul3A_2 : i32
    %dma_start3A_312 = arith.constant 11264 : i32
    %dma_start3A_313 = tpu.memref_slice %arg6[%dma_start3A_312] : memref<13312xi32, #tpu.memory_space<vmem>> -> memref<512xi32, #tpu.memory_space<vmem>>
    %dma_start3A_314 = tpu.memref_slice %arg2[%add3A_311] : memref<425984xi32, #tpu.memory_space<hbm>> -> memref<512xi32, #tpu.memory_space<hbm>>
    %dma_start3A_315 = arith.constant 11264 : i32
    %dma_start3A_316 = tpu.memref_slice %arg6[%dma_start3A_315] : memref<13312xi32, #tpu.memory_space<vmem>> -> memref<512xi32, #tpu.memory_space<vmem>>
    %dma_start3A_317 = tpu.memref_slice %arg2[%add3A_311] : memref<425984xi32, #tpu.memory_space<hbm>> -> memref<512xi32, #tpu.memory_space<hbm>>
    tpu.enqueue_dma source(%dma_start3A_317 : memref<512xi32, #tpu.memory_space<hbm>>) target(%dma_start3A_316 : memref<512xi32, #tpu.memory_space<vmem>>) target_semaphore(%arg10 : memref<!tpu.dma_semaphore, #tpu.memory_space<semaphore_mem>>)
    %dma_start3A_318 = arith.constant 11264 : i32
    %dma_start3A_319 = tpu.memref_slice %arg6[%dma_start3A_318] : memref<13312xi32, #tpu.memory_space<vmem>> -> memref<512xi32, #tpu.memory_space<vmem>>
    %dma_start3A_320 = tpu.memref_slice %arg2[%add3A_311] : memref<425984xi32, #tpu.memory_space<hbm>> -> memref<512xi32, #tpu.memory_space<hbm>>
    %dma_start3A_321 = arith.constant 11264 : i32
    %dma_start3A_322 = tpu.memref_slice %arg6[%dma_start3A_321] : memref<13312xi32, #tpu.memory_space<vmem>> -> memref<512xi32, #tpu.memory_space<vmem>>
    %dma_start3A_323 = tpu.memref_slice %arg2[%add3A_311] : memref<425984xi32, #tpu.memory_space<hbm>> -> memref<512xi32, #tpu.memory_space<hbm>>
    tpu.enqueue_dma source(%dma_start3A_323 : memref<512xi32, #tpu.memory_space<hbm>>) target(%dma_start3A_322 : memref<512xi32, #tpu.memory_space<vmem>>) target_semaphore(%arg10 : memref<!tpu.dma_semaphore, #tpu.memory_space<semaphore_mem>>)
    %add3A_324 = arith.constant 376832 : i32
    %add3A_325 = arith.addi %add3A_324, %mul3A_2 : i32
    %dma_start3A_326 = arith.constant 11776 : i32
    %dma_start3A_327 = tpu.memref_slice %arg6[%dma_start3A_326] : memref<13312xi32, #tpu.memory_space<vmem>> -> memref<512xi32, #tpu.memory_space<vmem>>
    %dma_start3A_328 = tpu.memref_slice %arg2[%add3A_325] : memref<425984xi32, #tpu.memory_space<hbm>> -> memref<512xi32, #tpu.memory_space<hbm>>
    %dma_start3A_329 = arith.constant 11776 : i32
    %dma_start3A_330 = tpu.memref_slice %arg6[%dma_start3A_329] : memref<13312xi32, #tpu.memory_space<vmem>> -> memref<512xi32, #tpu.memory_space<vmem>>
    %dma_start3A_331 = tpu.memref_slice %arg2[%add3A_325] : memref<425984xi32, #tpu.memory_space<hbm>> -> memref<512xi32, #tpu.memory_space<hbm>>
    tpu.enqueue_dma source(%dma_start3A_331 : memref<512xi32, #tpu.memory_space<hbm>>) target(%dma_start3A_330 : memref<512xi32, #tpu.memory_space<vmem>>) target_semaphore(%arg10 : memref<!tpu.dma_semaphore, #tpu.memory_space<semaphore_mem>>)
    %dma_start3A_332 = arith.constant 11776 : i32
    %dma_start3A_333 = tpu.memref_slice %arg6[%dma_start3A_332] : memref<13312xi32, #tpu.memory_space<vmem>> -> memref<512xi32, #tpu.memory_space<vmem>>
    %dma_start3A_334 = tpu.memref_slice %arg2[%add3A_325] : memref<425984xi32, #tpu.memory_space<hbm>> -> memref<512xi32, #tpu.memory_space<hbm>>
    %dma_start3A_335 = arith.constant 11776 : i32
    %dma_start3A_336 = tpu.memref_slice %arg6[%dma_start3A_335] : memref<13312xi32, #tpu.memory_space<vmem>> -> memref<512xi32, #tpu.memory_space<vmem>>
    %dma_start3A_337 = tpu.memref_slice %arg2[%add3A_325] : memref<425984xi32, #tpu.memory_space<hbm>> -> memref<512xi32, #tpu.memory_space<hbm>>
    tpu.enqueue_dma source(%dma_start3A_337 : memref<512xi32, #tpu.memory_space<hbm>>) target(%dma_start3A_336 : memref<512xi32, #tpu.memory_space<vmem>>) target_semaphore(%arg10 : memref<!tpu.dma_semaphore, #tpu.memory_space<semaphore_mem>>)
    %add3A_338 = arith.constant 393216 : i32
    %add3A_339 = arith.addi %add3A_338, %mul3A_2 : i32
    %dma_start3A_340 = arith.constant 12288 : i32
    %dma_start3A_341 = tpu.memref_slice %arg6[%dma_start3A_340] : memref<13312xi32, #tpu.memory_space<vmem>> -> memref<512xi32, #tpu.memory_space<vmem>>
    %dma_start3A_342 = tpu.memref_slice %arg2[%add3A_339] : memref<425984xi32, #tpu.memory_space<hbm>> -> memref<512xi32, #tpu.memory_space<hbm>>
    %dma_start3A_343 = arith.constant 12288 : i32
    %dma_start3A_344 = tpu.memref_slice %arg6[%dma_start3A_343] : memref<13312xi32, #tpu.memory_space<vmem>> -> memref<512xi32, #tpu.memory_space<vmem>>
    %dma_start3A_345 = tpu.memref_slice %arg2[%add3A_339] : memref<425984xi32, #tpu.memory_space<hbm>> -> memref<512xi32, #tpu.memory_space<hbm>>
    tpu.enqueue_dma source(%dma_start3A_345 : memref<512xi32, #tpu.memory_space<hbm>>) target(%dma_start3A_344 : memref<512xi32, #tpu.memory_space<vmem>>) target_semaphore(%arg10 : memref<!tpu.dma_semaphore, #tpu.memory_space<semaphore_mem>>)
    %dma_start3A_346 = arith.constant 12288 : i32
    %dma_start3A_347 = tpu.memref_slice %arg6[%dma_start3A_346] : memref<13312xi32, #tpu.memory_space<vmem>> -> memref<512xi32, #tpu.memory_space<vmem>>
    %dma_start3A_348 = tpu.memref_slice %arg2[%add3A_339] : memref<425984xi32, #tpu.memory_space<hbm>> -> memref<512xi32, #tpu.memory_space<hbm>>
    %dma_start3A_349 = arith.constant 12288 : i32
    %dma_start3A_350 = tpu.memref_slice %arg6[%dma_start3A_349] : memref<13312xi32, #tpu.memory_space<vmem>> -> memref<512xi32, #tpu.memory_space<vmem>>
    %dma_start3A_351 = tpu.memref_slice %arg2[%add3A_339] : memref<425984xi32, #tpu.memory_space<hbm>> -> memref<512xi32, #tpu.memory_space<hbm>>
    tpu.enqueue_dma source(%dma_start3A_351 : memref<512xi32, #tpu.memory_space<hbm>>) target(%dma_start3A_350 : memref<512xi32, #tpu.memory_space<vmem>>) target_semaphore(%arg10 : memref<!tpu.dma_semaphore, #tpu.memory_space<semaphore_mem>>)
    %add3A_352 = arith.constant 409600 : i32
    %add3A_353 = arith.addi %add3A_352, %mul3A_2 : i32
    %dma_start3A_354 = arith.constant 12800 : i32
    %dma_start3A_355 = tpu.memref_slice %arg6[%dma_start3A_354] : memref<13312xi32, #tpu.memory_space<vmem>> -> memref<512xi32, #tpu.memory_space<vmem>>
    %dma_start3A_356 = tpu.memref_slice %arg2[%add3A_353] : memref<425984xi32, #tpu.memory_space<hbm>> -> memref<512xi32, #tpu.memory_space<hbm>>
    %dma_start3A_357 = arith.constant 12800 : i32
    %dma_start3A_358 = tpu.memref_slice %arg6[%dma_start3A_357] : memref<13312xi32, #tpu.memory_space<vmem>> -> memref<512xi32, #tpu.memory_space<vmem>>
    %dma_start3A_359 = tpu.memref_slice %arg2[%add3A_353] : memref<425984xi32, #tpu.memory_space<hbm>> -> memref<512xi32, #tpu.memory_space<hbm>>
    tpu.enqueue_dma source(%dma_start3A_359 : memref<512xi32, #tpu.memory_space<hbm>>) target(%dma_start3A_358 : memref<512xi32, #tpu.memory_space<vmem>>) target_semaphore(%arg10 : memref<!tpu.dma_semaphore, #tpu.memory_space<semaphore_mem>>)
    %dma_start3A_360 = arith.constant 12800 : i32
    %dma_start3A_361 = tpu.memref_slice %arg6[%dma_start3A_360] : memref<13312xi32, #tpu.memory_space<vmem>> -> memref<512xi32, #tpu.memory_space<vmem>>
    %dma_start3A_362 = tpu.memref_slice %arg2[%add3A_353] : memref<425984xi32, #tpu.memory_space<hbm>> -> memref<512xi32, #tpu.memory_space<hbm>>
    %dma_start3A_363 = arith.constant 12800 : i32
    %dma_start3A_364 = tpu.memref_slice %arg6[%dma_start3A_363] : memref<13312xi32, #tpu.memory_space<vmem>> -> memref<512xi32, #tpu.memory_space<vmem>>
    %dma_start3A_365 = tpu.memref_slice %arg2[%add3A_353] : memref<425984xi32, #tpu.memory_space<hbm>> -> memref<512xi32, #tpu.memory_space<hbm>>
    tpu.enqueue_dma source(%dma_start3A_365 : memref<512xi32, #tpu.memory_space<hbm>>) target(%dma_start3A_364 : memref<512xi32, #tpu.memory_space<vmem>>) target_semaphore(%arg10 : memref<!tpu.dma_semaphore, #tpu.memory_space<semaphore_mem>>)
    "tpu.region"() ({
      %run_scoped3A = tpu.sem_alloc : memref<!tpu.dma_semaphore, #tpu.memory_space<semaphore_mem>>
      tpu.enqueue_dma source(%arg4 : memref<1xf32, #tpu.memory_space<hbm>>) target(%arg8 : memref<1xf32, #tpu.memory_space<vmem>>) target_semaphore(%run_scoped3A : memref<!tpu.dma_semaphore, #tpu.memory_space<semaphore_mem>>)
      tpu.wait_dma2 semaphore(%run_scoped3A : memref<!tpu.dma_semaphore, #tpu.memory_space<semaphore_mem>>) src(%arg4 : memref<1xf32, #tpu.memory_space<hbm>>) dst(%arg8 : memref<1xf32, #tpu.memory_space<vmem>>)
      tpu.yield
    }) : () -> ()
    %add3A_366 = arith.constant 0 : i32
    %add3A_367 = arith.addi %add3A_366, %mul3A_2 : i32
    %dma_start3A_368 = arith.constant 0 : i32
    %dma_start3A_369 = tpu.memref_slice %arg6[%dma_start3A_368] : memref<13312xi32, #tpu.memory_space<vmem>> -> memref<512xi32, #tpu.memory_space<vmem>>
    %dma_start3A_370 = tpu.memref_slice %arg2[%add3A_367] : memref<425984xi32, #tpu.memory_space<hbm>> -> memref<512xi32, #tpu.memory_space<hbm>>
    %dma_start3A_371 = arith.constant 0 : i32
    %dma_start3A_372 = tpu.memref_slice %arg6[%dma_start3A_371] : memref<13312xi32, #tpu.memory_space<vmem>> -> memref<512xi32, #tpu.memory_space<vmem>>
    %dma_start3A_373 = tpu.memref_slice %arg2[%add3A_367] : memref<425984xi32, #tpu.memory_space<hbm>> -> memref<512xi32, #tpu.memory_space<hbm>>
    tpu.enqueue_dma source(%dma_start3A_373 : memref<512xi32, #tpu.memory_space<hbm>>) target(%dma_start3A_372 : memref<512xi32, #tpu.memory_space<vmem>>) target_semaphore(%arg10 : memref<!tpu.dma_semaphore, #tpu.memory_space<semaphore_mem>>)
    %dma_wait3A = arith.constant 0 : i32
    %dma_wait3A_374 = tpu.memref_slice %arg6[%dma_wait3A] : memref<13312xi32, #tpu.memory_space<vmem>> -> memref<512xi32, #tpu.memory_space<vmem>>
    %dma_wait3A_375 = tpu.memref_slice %arg2[%add3A_367] : memref<425984xi32, #tpu.memory_space<hbm>> -> memref<512xi32, #tpu.memory_space<hbm>>
    %dma_wait3A_376 = arith.constant 0 : i32
    %dma_wait3A_377 = tpu.memref_slice %arg6[%dma_wait3A_376] : memref<13312xi32, #tpu.memory_space<vmem>> -> memref<512xi32, #tpu.memory_space<vmem>>
    %dma_wait3A_378 = tpu.memref_slice %arg2[%add3A_367] : memref<425984xi32, #tpu.memory_space<hbm>> -> memref<512xi32, #tpu.memory_space<hbm>>
    tpu.wait_dma2 semaphore(%arg10 : memref<!tpu.dma_semaphore, #tpu.memory_space<semaphore_mem>>) src(%dma_wait3A_378 : memref<512xi32, #tpu.memory_space<hbm>>) dst(%dma_wait3A_377 : memref<512xi32, #tpu.memory_space<vmem>>)
    %add3A_379 = arith.constant 16384 : i32
    %add3A_380 = arith.addi %add3A_379, %mul3A_2 : i32
    %dma_start3A_381 = arith.constant 512 : i32
    %dma_start3A_382 = tpu.memref_slice %arg6[%dma_start3A_381] : memref<13312xi32, #tpu.memory_space<vmem>> -> memref<512xi32, #tpu.memory_space<vmem>>
    %dma_start3A_383 = tpu.memref_slice %arg2[%add3A_380] : memref<425984xi32, #tpu.memory_space<hbm>> -> memref<512xi32, #tpu.memory_space<hbm>>
    %dma_start3A_384 = arith.constant 512 : i32
    %dma_start3A_385 = tpu.memref_slice %arg6[%dma_start3A_384] : memref<13312xi32, #tpu.memory_space<vmem>> -> memref<512xi32, #tpu.memory_space<vmem>>
    %dma_start3A_386 = tpu.memref_slice %arg2[%add3A_380] : memref<425984xi32, #tpu.memory_space<hbm>> -> memref<512xi32, #tpu.memory_space<hbm>>
    tpu.enqueue_dma source(%dma_start3A_386 : memref<512xi32, #tpu.memory_space<hbm>>) target(%dma_start3A_385 : memref<512xi32, #tpu.memory_space<vmem>>) target_semaphore(%arg10 : memref<!tpu.dma_semaphore, #tpu.memory_space<semaphore_mem>>)
    %dma_wait3A_387 = arith.constant 512 : i32
    %dma_wait3A_388 = tpu.memref_slice %arg6[%dma_wait3A_387] : memref<13312xi32, #tpu.memory_space<vmem>> -> memref<512xi32, #tpu.memory_space<vmem>>
    %dma_wait3A_389 = tpu.memref_slice %arg2[%add3A_380] : memref<425984xi32, #tpu.memory_space<hbm>> -> memref<512xi32, #tpu.memory_space<hbm>>
    %dma_wait3A_390 = arith.constant 512 : i32
    %dma_wait3A_391 = tpu.memref_slice %arg6[%dma_wait3A_390] : memref<13312xi32, #tpu.memory_space<vmem>> -> memref<512xi32, #tpu.memory_space<vmem>>
    %dma_wait3A_392 = tpu.memref_slice %arg2[%add3A_380] : memref<425984xi32, #tpu.memory_space<hbm>> -> memref<512xi32, #tpu.memory_space<hbm>>
    tpu.wait_dma2 semaphore(%arg10 : memref<!tpu.dma_semaphore, #tpu.memory_space<semaphore_mem>>) src(%dma_wait3A_392 : memref<512xi32, #tpu.memory_space<hbm>>) dst(%dma_wait3A_391 : memref<512xi32, #tpu.memory_space<vmem>>)
    %add3A_393 = arith.constant 32768 : i32
    %add3A_394 = arith.addi %add3A_393, %mul3A_2 : i32
    %dma_start3A_395 = arith.constant 1024 : i32
    %dma_start3A_396 = tpu.memref_slice %arg6[%dma_start3A_395] : memref<13312xi32, #tpu.memory_space<vmem>> -> memref<512xi32, #tpu.memory_space<vmem>>
    %dma_start3A_397 = tpu.memref_slice %arg2[%add3A_394] : memref<425984xi32, #tpu.memory_space<hbm>> -> memref<512xi32, #tpu.memory_space<hbm>>
    %dma_start3A_398 = arith.constant 1024 : i32
    %dma_start3A_399 = tpu.memref_slice %arg6[%dma_start3A_398] : memref<13312xi32, #tpu.memory_space<vmem>> -> memref<512xi32, #tpu.memory_space<vmem>>
    %dma_start3A_400 = tpu.memref_slice %arg2[%add3A_394] : memref<425984xi32, #tpu.memory_space<hbm>> -> memref<512xi32, #tpu.memory_space<hbm>>
    tpu.enqueue_dma source(%dma_start3A_400 : memref<512xi32, #tpu.memory_space<hbm>>) target(%dma_start3A_399 : memref<512xi32, #tpu.memory_space<vmem>>) target_semaphore(%arg10 : memref<!tpu.dma_semaphore, #tpu.memory_space<semaphore_mem>>)
    %dma_wait3A_401 = arith.constant 1024 : i32
    %dma_wait3A_402 = tpu.memref_slice %arg6[%dma_wait3A_401] : memref<13312xi32, #tpu.memory_space<vmem>> -> memref<512xi32, #tpu.memory_space<vmem>>
    %dma_wait3A_403 = tpu.memref_slice %arg2[%add3A_394] : memref<425984xi32, #tpu.memory_space<hbm>> -> memref<512xi32, #tpu.memory_space<hbm>>
    %dma_wait3A_404 = arith.constant 1024 : i32
    %dma_wait3A_405 = tpu.memref_slice %arg6[%dma_wait3A_404] : memref<13312xi32, #tpu.memory_space<vmem>> -> memref<512xi32, #tpu.memory_space<vmem>>
    %dma_wait3A_406 = tpu.memref_slice %arg2[%add3A_394] : memref<425984xi32, #tpu.memory_space<hbm>> -> memref<512xi32, #tpu.memory_space<hbm>>
    tpu.wait_dma2 semaphore(%arg10 : memref<!tpu.dma_semaphore, #tpu.memory_space<semaphore_mem>>) src(%dma_wait3A_406 : memref<512xi32, #tpu.memory_space<hbm>>) dst(%dma_wait3A_405 : memref<512xi32, #tpu.memory_space<vmem>>)
    %add3A_407 = arith.constant 49152 : i32
    %add3A_408 = arith.addi %add3A_407, %mul3A_2 : i32
    %dma_start3A_409 = arith.constant 1536 : i32
    %dma_start3A_410 = tpu.memref_slice %arg6[%dma_start3A_409] : memref<13312xi32, #tpu.memory_space<vmem>> -> memref<512xi32, #tpu.memory_space<vmem>>
    %dma_start3A_411 = tpu.memref_slice %arg2[%add3A_408] : memref<425984xi32, #tpu.memory_space<hbm>> -> memref<512xi32, #tpu.memory_space<hbm>>
    %dma_start3A_412 = arith.constant 1536 : i32
    %dma_start3A_413 = tpu.memref_slice %arg6[%dma_start3A_412] : memref<13312xi32, #tpu.memory_space<vmem>> -> memref<512xi32, #tpu.memory_space<vmem>>
    %dma_start3A_414 = tpu.memref_slice %arg2[%add3A_408] : memref<425984xi32, #tpu.memory_space<hbm>> -> memref<512xi32, #tpu.memory_space<hbm>>
    tpu.enqueue_dma source(%dma_start3A_414 : memref<512xi32, #tpu.memory_space<hbm>>) target(%dma_start3A_413 : memref<512xi32, #tpu.memory_space<vmem>>) target_semaphore(%arg10 : memref<!tpu.dma_semaphore, #tpu.memory_space<semaphore_mem>>)
    %dma_wait3A_415 = arith.constant 1536 : i32
    %dma_wait3A_416 = tpu.memref_slice %arg6[%dma_wait3A_415] : memref<13312xi32, #tpu.memory_space<vmem>> -> memref<512xi32, #tpu.memory_space<vmem>>
    %dma_wait3A_417 = tpu.memref_slice %arg2[%add3A_408] : memref<425984xi32, #tpu.memory_space<hbm>> -> memref<512xi32, #tpu.memory_space<hbm>>
    %dma_wait3A_418 = arith.constant 1536 : i32
    %dma_wait3A_419 = tpu.memref_slice %arg6[%dma_wait3A_418] : memref<13312xi32, #tpu.memory_space<vmem>> -> memref<512xi32, #tpu.memory_space<vmem>>
    %dma_wait3A_420 = tpu.memref_slice %arg2[%add3A_408] : memref<425984xi32, #tpu.memory_space<hbm>> -> memref<512xi32, #tpu.memory_space<hbm>>
    tpu.wait_dma2 semaphore(%arg10 : memref<!tpu.dma_semaphore, #tpu.memory_space<semaphore_mem>>) src(%dma_wait3A_420 : memref<512xi32, #tpu.memory_space<hbm>>) dst(%dma_wait3A_419 : memref<512xi32, #tpu.memory_space<vmem>>)
    %add3A_421 = arith.constant 65536 : i32
    %add3A_422 = arith.addi %add3A_421, %mul3A_2 : i32
    %dma_start3A_423 = arith.constant 2048 : i32
    %dma_start3A_424 = tpu.memref_slice %arg6[%dma_start3A_423] : memref<13312xi32, #tpu.memory_space<vmem>> -> memref<512xi32, #tpu.memory_space<vmem>>
    %dma_start3A_425 = tpu.memref_slice %arg2[%add3A_422] : memref<425984xi32, #tpu.memory_space<hbm>> -> memref<512xi32, #tpu.memory_space<hbm>>
    %dma_start3A_426 = arith.constant 2048 : i32
    %dma_start3A_427 = tpu.memref_slice %arg6[%dma_start3A_426] : memref<13312xi32, #tpu.memory_space<vmem>> -> memref<512xi32, #tpu.memory_space<vmem>>
    %dma_start3A_428 = tpu.memref_slice %arg2[%add3A_422] : memref<425984xi32, #tpu.memory_space<hbm>> -> memref<512xi32, #tpu.memory_space<hbm>>
    tpu.enqueue_dma source(%dma_start3A_428 : memref<512xi32, #tpu.memory_space<hbm>>) target(%dma_start3A_427 : memref<512xi32, #tpu.memory_space<vmem>>) target_semaphore(%arg10 : memref<!tpu.dma_semaphore, #tpu.memory_space<semaphore_mem>>)
    %dma_wait3A_429 = arith.constant 2048 : i32
    %dma_wait3A_430 = tpu.memref_slice %arg6[%dma_wait3A_429] : memref<13312xi32, #tpu.memory_space<vmem>> -> memref<512xi32, #tpu.memory_space<vmem>>
    %dma_wait3A_431 = tpu.memref_slice %arg2[%add3A_422] : memref<425984xi32, #tpu.memory_space<hbm>> -> memref<512xi32, #tpu.memory_space<hbm>>
    %dma_wait3A_432 = arith.constant 2048 : i32
    %dma_wait3A_433 = tpu.memref_slice %arg6[%dma_wait3A_432] : memref<13312xi32, #tpu.memory_space<vmem>> -> memref<512xi32, #tpu.memory_space<vmem>>
    %dma_wait3A_434 = tpu.memref_slice %arg2[%add3A_422] : memref<425984xi32, #tpu.memory_space<hbm>> -> memref<512xi32, #tpu.memory_space<hbm>>
    tpu.wait_dma2 semaphore(%arg10 : memref<!tpu.dma_semaphore, #tpu.memory_space<semaphore_mem>>) src(%dma_wait3A_434 : memref<512xi32, #tpu.memory_space<hbm>>) dst(%dma_wait3A_433 : memref<512xi32, #tpu.memory_space<vmem>>)
    %add3A_435 = arith.constant 81920 : i32
    %add3A_436 = arith.addi %add3A_435, %mul3A_2 : i32
    %dma_start3A_437 = arith.constant 2560 : i32
    %dma_start3A_438 = tpu.memref_slice %arg6[%dma_start3A_437] : memref<13312xi32, #tpu.memory_space<vmem>> -> memref<512xi32, #tpu.memory_space<vmem>>
    %dma_start3A_439 = tpu.memref_slice %arg2[%add3A_436] : memref<425984xi32, #tpu.memory_space<hbm>> -> memref<512xi32, #tpu.memory_space<hbm>>
    %dma_start3A_440 = arith.constant 2560 : i32
    %dma_start3A_441 = tpu.memref_slice %arg6[%dma_start3A_440] : memref<13312xi32, #tpu.memory_space<vmem>> -> memref<512xi32, #tpu.memory_space<vmem>>
    %dma_start3A_442 = tpu.memref_slice %arg2[%add3A_436] : memref<425984xi32, #tpu.memory_space<hbm>> -> memref<512xi32, #tpu.memory_space<hbm>>
    tpu.enqueue_dma source(%dma_start3A_442 : memref<512xi32, #tpu.memory_space<hbm>>) target(%dma_start3A_441 : memref<512xi32, #tpu.memory_space<vmem>>) target_semaphore(%arg10 : memref<!tpu.dma_semaphore, #tpu.memory_space<semaphore_mem>>)
    %dma_wait3A_443 = arith.constant 2560 : i32
    %dma_wait3A_444 = tpu.memref_slice %arg6[%dma_wait3A_443] : memref<13312xi32, #tpu.memory_space<vmem>> -> memref<512xi32, #tpu.memory_space<vmem>>
    %dma_wait3A_445 = tpu.memref_slice %arg2[%add3A_436] : memref<425984xi32, #tpu.memory_space<hbm>> -> memref<512xi32, #tpu.memory_space<hbm>>
    %dma_wait3A_446 = arith.constant 2560 : i32
    %dma_wait3A_447 = tpu.memref_slice %arg6[%dma_wait3A_446] : memref<13312xi32, #tpu.memory_space<vmem>> -> memref<512xi32, #tpu.memory_space<vmem>>
    %dma_wait3A_448 = tpu.memref_slice %arg2[%add3A_436] : memref<425984xi32, #tpu.memory_space<hbm>> -> memref<512xi32, #tpu.memory_space<hbm>>
    tpu.wait_dma2 semaphore(%arg10 : memref<!tpu.dma_semaphore, #tpu.memory_space<semaphore_mem>>) src(%dma_wait3A_448 : memref<512xi32, #tpu.memory_space<hbm>>) dst(%dma_wait3A_447 : memref<512xi32, #tpu.memory_space<vmem>>)
    %add3A_449 = arith.constant 98304 : i32
    %add3A_450 = arith.addi %add3A_449, %mul3A_2 : i32
    %dma_start3A_451 = arith.constant 3072 : i32
    %dma_start3A_452 = tpu.memref_slice %arg6[%dma_start3A_451] : memref<13312xi32, #tpu.memory_space<vmem>> -> memref<512xi32, #tpu.memory_space<vmem>>
    %dma_start3A_453 = tpu.memref_slice %arg2[%add3A_450] : memref<425984xi32, #tpu.memory_space<hbm>> -> memref<512xi32, #tpu.memory_space<hbm>>
    %dma_start3A_454 = arith.constant 3072 : i32
    %dma_start3A_455 = tpu.memref_slice %arg6[%dma_start3A_454] : memref<13312xi32, #tpu.memory_space<vmem>> -> memref<512xi32, #tpu.memory_space<vmem>>
    %dma_start3A_456 = tpu.memref_slice %arg2[%add3A_450] : memref<425984xi32, #tpu.memory_space<hbm>> -> memref<512xi32, #tpu.memory_space<hbm>>
    tpu.enqueue_dma source(%dma_start3A_456 : memref<512xi32, #tpu.memory_space<hbm>>) target(%dma_start3A_455 : memref<512xi32, #tpu.memory_space<vmem>>) target_semaphore(%arg10 : memref<!tpu.dma_semaphore, #tpu.memory_space<semaphore_mem>>)
    %dma_wait3A_457 = arith.constant 3072 : i32
    %dma_wait3A_458 = tpu.memref_slice %arg6[%dma_wait3A_457] : memref<13312xi32, #tpu.memory_space<vmem>> -> memref<512xi32, #tpu.memory_space<vmem>>
    %dma_wait3A_459 = tpu.memref_slice %arg2[%add3A_450] : memref<425984xi32, #tpu.memory_space<hbm>> -> memref<512xi32, #tpu.memory_space<hbm>>
    %dma_wait3A_460 = arith.constant 3072 : i32
    %dma_wait3A_461 = tpu.memref_slice %arg6[%dma_wait3A_460] : memref<13312xi32, #tpu.memory_space<vmem>> -> memref<512xi32, #tpu.memory_space<vmem>>
    %dma_wait3A_462 = tpu.memref_slice %arg2[%add3A_450] : memref<425984xi32, #tpu.memory_space<hbm>> -> memref<512xi32, #tpu.memory_space<hbm>>
    tpu.wait_dma2 semaphore(%arg10 : memref<!tpu.dma_semaphore, #tpu.memory_space<semaphore_mem>>) src(%dma_wait3A_462 : memref<512xi32, #tpu.memory_space<hbm>>) dst(%dma_wait3A_461 : memref<512xi32, #tpu.memory_space<vmem>>)
    %add3A_463 = arith.constant 114688 : i32
    %add3A_464 = arith.addi %add3A_463, %mul3A_2 : i32
    %dma_start3A_465 = arith.constant 3584 : i32
    %dma_start3A_466 = tpu.memref_slice %arg6[%dma_start3A_465] : memref<13312xi32, #tpu.memory_space<vmem>> -> memref<512xi32, #tpu.memory_space<vmem>>
    %dma_start3A_467 = tpu.memref_slice %arg2[%add3A_464] : memref<425984xi32, #tpu.memory_space<hbm>> -> memref<512xi32, #tpu.memory_space<hbm>>
    %dma_start3A_468 = arith.constant 3584 : i32
    %dma_start3A_469 = tpu.memref_slice %arg6[%dma_start3A_468] : memref<13312xi32, #tpu.memory_space<vmem>> -> memref<512xi32, #tpu.memory_space<vmem>>
    %dma_start3A_470 = tpu.memref_slice %arg2[%add3A_464] : memref<425984xi32, #tpu.memory_space<hbm>> -> memref<512xi32, #tpu.memory_space<hbm>>
    tpu.enqueue_dma source(%dma_start3A_470 : memref<512xi32, #tpu.memory_space<hbm>>) target(%dma_start3A_469 : memref<512xi32, #tpu.memory_space<vmem>>) target_semaphore(%arg10 : memref<!tpu.dma_semaphore, #tpu.memory_space<semaphore_mem>>)
    %dma_wait3A_471 = arith.constant 3584 : i32
    %dma_wait3A_472 = tpu.memref_slice %arg6[%dma_wait3A_471] : memref<13312xi32, #tpu.memory_space<vmem>> -> memref<512xi32, #tpu.memory_space<vmem>>
    %dma_wait3A_473 = tpu.memref_slice %arg2[%add3A_464] : memref<425984xi32, #tpu.memory_space<hbm>> -> memref<512xi32, #tpu.memory_space<hbm>>
    %dma_wait3A_474 = arith.constant 3584 : i32
    %dma_wait3A_475 = tpu.memref_slice %arg6[%dma_wait3A_474] : memref<13312xi32, #tpu.memory_space<vmem>> -> memref<512xi32, #tpu.memory_space<vmem>>
    %dma_wait3A_476 = tpu.memref_slice %arg2[%add3A_464] : memref<425984xi32, #tpu.memory_space<hbm>> -> memref<512xi32, #tpu.memory_space<hbm>>
    tpu.wait_dma2 semaphore(%arg10 : memref<!tpu.dma_semaphore, #tpu.memory_space<semaphore_mem>>) src(%dma_wait3A_476 : memref<512xi32, #tpu.memory_space<hbm>>) dst(%dma_wait3A_475 : memref<512xi32, #tpu.memory_space<vmem>>)
    %add3A_477 = arith.constant 131072 : i32
    %add3A_478 = arith.addi %add3A_477, %mul3A_2 : i32
    %dma_start3A_479 = arith.constant 4096 : i32
    %dma_start3A_480 = tpu.memref_slice %arg6[%dma_start3A_479] : memref<13312xi32, #tpu.memory_space<vmem>> -> memref<512xi32, #tpu.memory_space<vmem>>
    %dma_start3A_481 = tpu.memref_slice %arg2[%add3A_478] : memref<425984xi32, #tpu.memory_space<hbm>> -> memref<512xi32, #tpu.memory_space<hbm>>
    %dma_start3A_482 = arith.constant 4096 : i32
    %dma_start3A_483 = tpu.memref_slice %arg6[%dma_start3A_482] : memref<13312xi32, #tpu.memory_space<vmem>> -> memref<512xi32, #tpu.memory_space<vmem>>
    %dma_start3A_484 = tpu.memref_slice %arg2[%add3A_478] : memref<425984xi32, #tpu.memory_space<hbm>> -> memref<512xi32, #tpu.memory_space<hbm>>
    tpu.enqueue_dma source(%dma_start3A_484 : memref<512xi32, #tpu.memory_space<hbm>>) target(%dma_start3A_483 : memref<512xi32, #tpu.memory_space<vmem>>) target_semaphore(%arg10 : memref<!tpu.dma_semaphore, #tpu.memory_space<semaphore_mem>>)
    %dma_wait3A_485 = arith.constant 4096 : i32
    %dma_wait3A_486 = tpu.memref_slice %arg6[%dma_wait3A_485] : memref<13312xi32, #tpu.memory_space<vmem>> -> memref<512xi32, #tpu.memory_space<vmem>>
    %dma_wait3A_487 = tpu.memref_slice %arg2[%add3A_478] : memref<425984xi32, #tpu.memory_space<hbm>> -> memref<512xi32, #tpu.memory_space<hbm>>
    %dma_wait3A_488 = arith.constant 4096 : i32
    %dma_wait3A_489 = tpu.memref_slice %arg6[%dma_wait3A_488] : memref<13312xi32, #tpu.memory_space<vmem>> -> memref<512xi32, #tpu.memory_space<vmem>>
    %dma_wait3A_490 = tpu.memref_slice %arg2[%add3A_478] : memref<425984xi32, #tpu.memory_space<hbm>> -> memref<512xi32, #tpu.memory_space<hbm>>
    tpu.wait_dma2 semaphore(%arg10 : memref<!tpu.dma_semaphore, #tpu.memory_space<semaphore_mem>>) src(%dma_wait3A_490 : memref<512xi32, #tpu.memory_space<hbm>>) dst(%dma_wait3A_489 : memref<512xi32, #tpu.memory_space<vmem>>)
    %add3A_491 = arith.constant 147456 : i32
    %add3A_492 = arith.addi %add3A_491, %mul3A_2 : i32
    %dma_start3A_493 = arith.constant 4608 : i32
    %dma_start3A_494 = tpu.memref_slice %arg6[%dma_start3A_493] : memref<13312xi32, #tpu.memory_space<vmem>> -> memref<512xi32, #tpu.memory_space<vmem>>
    %dma_start3A_495 = tpu.memref_slice %arg2[%add3A_492] : memref<425984xi32, #tpu.memory_space<hbm>> -> memref<512xi32, #tpu.memory_space<hbm>>
    %dma_start3A_496 = arith.constant 4608 : i32
    %dma_start3A_497 = tpu.memref_slice %arg6[%dma_start3A_496] : memref<13312xi32, #tpu.memory_space<vmem>> -> memref<512xi32, #tpu.memory_space<vmem>>
    %dma_start3A_498 = tpu.memref_slice %arg2[%add3A_492] : memref<425984xi32, #tpu.memory_space<hbm>> -> memref<512xi32, #tpu.memory_space<hbm>>
    tpu.enqueue_dma source(%dma_start3A_498 : memref<512xi32, #tpu.memory_space<hbm>>) target(%dma_start3A_497 : memref<512xi32, #tpu.memory_space<vmem>>) target_semaphore(%arg10 : memref<!tpu.dma_semaphore, #tpu.memory_space<semaphore_mem>>)
    %dma_wait3A_499 = arith.constant 4608 : i32
    %dma_wait3A_500 = tpu.memref_slice %arg6[%dma_wait3A_499] : memref<13312xi32, #tpu.memory_space<vmem>> -> memref<512xi32, #tpu.memory_space<vmem>>
    %dma_wait3A_501 = tpu.memref_slice %arg2[%add3A_492] : memref<425984xi32, #tpu.memory_space<hbm>> -> memref<512xi32, #tpu.memory_space<hbm>>
    %dma_wait3A_502 = arith.constant 4608 : i32
    %dma_wait3A_503 = tpu.memref_slice %arg6[%dma_wait3A_502] : memref<13312xi32, #tpu.memory_space<vmem>> -> memref<512xi32, #tpu.memory_space<vmem>>
    %dma_wait3A_504 = tpu.memref_slice %arg2[%add3A_492] : memref<425984xi32, #tpu.memory_space<hbm>> -> memref<512xi32, #tpu.memory_space<hbm>>
    tpu.wait_dma2 semaphore(%arg10 : memref<!tpu.dma_semaphore, #tpu.memory_space<semaphore_mem>>) src(%dma_wait3A_504 : memref<512xi32, #tpu.memory_space<hbm>>) dst(%dma_wait3A_503 : memref<512xi32, #tpu.memory_space<vmem>>)
    %add3A_505 = arith.constant 163840 : i32
    %add3A_506 = arith.addi %add3A_505, %mul3A_2 : i32
    %dma_start3A_507 = arith.constant 5120 : i32
    %dma_start3A_508 = tpu.memref_slice %arg6[%dma_start3A_507] : memref<13312xi32, #tpu.memory_space<vmem>> -> memref<512xi32, #tpu.memory_space<vmem>>
    %dma_start3A_509 = tpu.memref_slice %arg2[%add3A_506] : memref<425984xi32, #tpu.memory_space<hbm>> -> memref<512xi32, #tpu.memory_space<hbm>>
    %dma_start3A_510 = arith.constant 5120 : i32
    %dma_start3A_511 = tpu.memref_slice %arg6[%dma_start3A_510] : memref<13312xi32, #tpu.memory_space<vmem>> -> memref<512xi32, #tpu.memory_space<vmem>>
    %dma_start3A_512 = tpu.memref_slice %arg2[%add3A_506] : memref<425984xi32, #tpu.memory_space<hbm>> -> memref<512xi32, #tpu.memory_space<hbm>>
    tpu.enqueue_dma source(%dma_start3A_512 : memref<512xi32, #tpu.memory_space<hbm>>) target(%dma_start3A_511 : memref<512xi32, #tpu.memory_space<vmem>>) target_semaphore(%arg10 : memref<!tpu.dma_semaphore, #tpu.memory_space<semaphore_mem>>)
    %dma_wait3A_513 = arith.constant 5120 : i32
    %dma_wait3A_514 = tpu.memref_slice %arg6[%dma_wait3A_513] : memref<13312xi32, #tpu.memory_space<vmem>> -> memref<512xi32, #tpu.memory_space<vmem>>
    %dma_wait3A_515 = tpu.memref_slice %arg2[%add3A_506] : memref<425984xi32, #tpu.memory_space<hbm>> -> memref<512xi32, #tpu.memory_space<hbm>>
    %dma_wait3A_516 = arith.constant 5120 : i32
    %dma_wait3A_517 = tpu.memref_slice %arg6[%dma_wait3A_516] : memref<13312xi32, #tpu.memory_space<vmem>> -> memref<512xi32, #tpu.memory_space<vmem>>
    %dma_wait3A_518 = tpu.memref_slice %arg2[%add3A_506] : memref<425984xi32, #tpu.memory_space<hbm>> -> memref<512xi32, #tpu.memory_space<hbm>>
    tpu.wait_dma2 semaphore(%arg10 : memref<!tpu.dma_semaphore, #tpu.memory_space<semaphore_mem>>) src(%dma_wait3A_518 : memref<512xi32, #tpu.memory_space<hbm>>) dst(%dma_wait3A_517 : memref<512xi32, #tpu.memory_space<vmem>>)
    %add3A_519 = arith.constant 180224 : i32
    %add3A_520 = arith.addi %add3A_519, %mul3A_2 : i32
    %dma_start3A_521 = arith.constant 5632 : i32
    %dma_start3A_522 = tpu.memref_slice %arg6[%dma_start3A_521] : memref<13312xi32, #tpu.memory_space<vmem>> -> memref<512xi32, #tpu.memory_space<vmem>>
    %dma_start3A_523 = tpu.memref_slice %arg2[%add3A_520] : memref<425984xi32, #tpu.memory_space<hbm>> -> memref<512xi32, #tpu.memory_space<hbm>>
    %dma_start3A_524 = arith.constant 5632 : i32
    %dma_start3A_525 = tpu.memref_slice %arg6[%dma_start3A_524] : memref<13312xi32, #tpu.memory_space<vmem>> -> memref<512xi32, #tpu.memory_space<vmem>>
    %dma_start3A_526 = tpu.memref_slice %arg2[%add3A_520] : memref<425984xi32, #tpu.memory_space<hbm>> -> memref<512xi32, #tpu.memory_space<hbm>>
    tpu.enqueue_dma source(%dma_start3A_526 : memref<512xi32, #tpu.memory_space<hbm>>) target(%dma_start3A_525 : memref<512xi32, #tpu.memory_space<vmem>>) target_semaphore(%arg10 : memref<!tpu.dma_semaphore, #tpu.memory_space<semaphore_mem>>)
    %dma_wait3A_527 = arith.constant 5632 : i32
    %dma_wait3A_528 = tpu.memref_slice %arg6[%dma_wait3A_527] : memref<13312xi32, #tpu.memory_space<vmem>> -> memref<512xi32, #tpu.memory_space<vmem>>
    %dma_wait3A_529 = tpu.memref_slice %arg2[%add3A_520] : memref<425984xi32, #tpu.memory_space<hbm>> -> memref<512xi32, #tpu.memory_space<hbm>>
    %dma_wait3A_530 = arith.constant 5632 : i32
    %dma_wait3A_531 = tpu.memref_slice %arg6[%dma_wait3A_530] : memref<13312xi32, #tpu.memory_space<vmem>> -> memref<512xi32, #tpu.memory_space<vmem>>
    %dma_wait3A_532 = tpu.memref_slice %arg2[%add3A_520] : memref<425984xi32, #tpu.memory_space<hbm>> -> memref<512xi32, #tpu.memory_space<hbm>>
    tpu.wait_dma2 semaphore(%arg10 : memref<!tpu.dma_semaphore, #tpu.memory_space<semaphore_mem>>) src(%dma_wait3A_532 : memref<512xi32, #tpu.memory_space<hbm>>) dst(%dma_wait3A_531 : memref<512xi32, #tpu.memory_space<vmem>>)
    %add3A_533 = arith.constant 196608 : i32
    %add3A_534 = arith.addi %add3A_533, %mul3A_2 : i32
    %dma_start3A_535 = arith.constant 6144 : i32
    %dma_start3A_536 = tpu.memref_slice %arg6[%dma_start3A_535] : memref<13312xi32, #tpu.memory_space<vmem>> -> memref<512xi32, #tpu.memory_space<vmem>>
    %dma_start3A_537 = tpu.memref_slice %arg2[%add3A_534] : memref<425984xi32, #tpu.memory_space<hbm>> -> memref<512xi32, #tpu.memory_space<hbm>>
    %dma_start3A_538 = arith.constant 6144 : i32
    %dma_start3A_539 = tpu.memref_slice %arg6[%dma_start3A_538] : memref<13312xi32, #tpu.memory_space<vmem>> -> memref<512xi32, #tpu.memory_space<vmem>>
    %dma_start3A_540 = tpu.memref_slice %arg2[%add3A_534] : memref<425984xi32, #tpu.memory_space<hbm>> -> memref<512xi32, #tpu.memory_space<hbm>>
    tpu.enqueue_dma source(%dma_start3A_540 : memref<512xi32, #tpu.memory_space<hbm>>) target(%dma_start3A_539 : memref<512xi32, #tpu.memory_space<vmem>>) target_semaphore(%arg10 : memref<!tpu.dma_semaphore, #tpu.memory_space<semaphore_mem>>)
    %dma_wait3A_541 = arith.constant 6144 : i32
    %dma_wait3A_542 = tpu.memref_slice %arg6[%dma_wait3A_541] : memref<13312xi32, #tpu.memory_space<vmem>> -> memref<512xi32, #tpu.memory_space<vmem>>
    %dma_wait3A_543 = tpu.memref_slice %arg2[%add3A_534] : memref<425984xi32, #tpu.memory_space<hbm>> -> memref<512xi32, #tpu.memory_space<hbm>>
    %dma_wait3A_544 = arith.constant 6144 : i32
    %dma_wait3A_545 = tpu.memref_slice %arg6[%dma_wait3A_544] : memref<13312xi32, #tpu.memory_space<vmem>> -> memref<512xi32, #tpu.memory_space<vmem>>
    %dma_wait3A_546 = tpu.memref_slice %arg2[%add3A_534] : memref<425984xi32, #tpu.memory_space<hbm>> -> memref<512xi32, #tpu.memory_space<hbm>>
    tpu.wait_dma2 semaphore(%arg10 : memref<!tpu.dma_semaphore, #tpu.memory_space<semaphore_mem>>) src(%dma_wait3A_546 : memref<512xi32, #tpu.memory_space<hbm>>) dst(%dma_wait3A_545 : memref<512xi32, #tpu.memory_space<vmem>>)
    %add3A_547 = arith.constant 212992 : i32
    %add3A_548 = arith.addi %add3A_547, %mul3A_2 : i32
    %dma_start3A_549 = arith.constant 6656 : i32
    %dma_start3A_550 = tpu.memref_slice %arg6[%dma_start3A_549] : memref<13312xi32, #tpu.memory_space<vmem>> -> memref<512xi32, #tpu.memory_space<vmem>>
    %dma_start3A_551 = tpu.memref_slice %arg2[%add3A_548] : memref<425984xi32, #tpu.memory_space<hbm>> -> memref<512xi32, #tpu.memory_space<hbm>>
    %dma_start3A_552 = arith.constant 6656 : i32
    %dma_start3A_553 = tpu.memref_slice %arg6[%dma_start3A_552] : memref<13312xi32, #tpu.memory_space<vmem>> -> memref<512xi32, #tpu.memory_space<vmem>>
    %dma_start3A_554 = tpu.memref_slice %arg2[%add3A_548] : memref<425984xi32, #tpu.memory_space<hbm>> -> memref<512xi32, #tpu.memory_space<hbm>>
    tpu.enqueue_dma source(%dma_start3A_554 : memref<512xi32, #tpu.memory_space<hbm>>) target(%dma_start3A_553 : memref<512xi32, #tpu.memory_space<vmem>>) target_semaphore(%arg10 : memref<!tpu.dma_semaphore, #tpu.memory_space<semaphore_mem>>)
    %dma_wait3A_555 = arith.constant 6656 : i32
    %dma_wait3A_556 = tpu.memref_slice %arg6[%dma_wait3A_555] : memref<13312xi32, #tpu.memory_space<vmem>> -> memref<512xi32, #tpu.memory_space<vmem>>
    %dma_wait3A_557 = tpu.memref_slice %arg2[%add3A_548] : memref<425984xi32, #tpu.memory_space<hbm>> -> memref<512xi32, #tpu.memory_space<hbm>>
    %dma_wait3A_558 = arith.constant 6656 : i32
    %dma_wait3A_559 = tpu.memref_slice %arg6[%dma_wait3A_558] : memref<13312xi32, #tpu.memory_space<vmem>> -> memref<512xi32, #tpu.memory_space<vmem>>
    %dma_wait3A_560 = tpu.memref_slice %arg2[%add3A_548] : memref<425984xi32, #tpu.memory_space<hbm>> -> memref<512xi32, #tpu.memory_space<hbm>>
    tpu.wait_dma2 semaphore(%arg10 : memref<!tpu.dma_semaphore, #tpu.memory_space<semaphore_mem>>) src(%dma_wait3A_560 : memref<512xi32, #tpu.memory_space<hbm>>) dst(%dma_wait3A_559 : memref<512xi32, #tpu.memory_space<vmem>>)
    %add3A_561 = arith.constant 229376 : i32
    %add3A_562 = arith.addi %add3A_561, %mul3A_2 : i32
    %dma_start3A_563 = arith.constant 7168 : i32
    %dma_start3A_564 = tpu.memref_slice %arg6[%dma_start3A_563] : memref<13312xi32, #tpu.memory_space<vmem>> -> memref<512xi32, #tpu.memory_space<vmem>>
    %dma_start3A_565 = tpu.memref_slice %arg2[%add3A_562] : memref<425984xi32, #tpu.memory_space<hbm>> -> memref<512xi32, #tpu.memory_space<hbm>>
    %dma_start3A_566 = arith.constant 7168 : i32
    %dma_start3A_567 = tpu.memref_slice %arg6[%dma_start3A_566] : memref<13312xi32, #tpu.memory_space<vmem>> -> memref<512xi32, #tpu.memory_space<vmem>>
    %dma_start3A_568 = tpu.memref_slice %arg2[%add3A_562] : memref<425984xi32, #tpu.memory_space<hbm>> -> memref<512xi32, #tpu.memory_space<hbm>>
    tpu.enqueue_dma source(%dma_start3A_568 : memref<512xi32, #tpu.memory_space<hbm>>) target(%dma_start3A_567 : memref<512xi32, #tpu.memory_space<vmem>>) target_semaphore(%arg10 : memref<!tpu.dma_semaphore, #tpu.memory_space<semaphore_mem>>)
    %dma_wait3A_569 = arith.constant 7168 : i32
    %dma_wait3A_570 = tpu.memref_slice %arg6[%dma_wait3A_569] : memref<13312xi32, #tpu.memory_space<vmem>> -> memref<512xi32, #tpu.memory_space<vmem>>
    %dma_wait3A_571 = tpu.memref_slice %arg2[%add3A_562] : memref<425984xi32, #tpu.memory_space<hbm>> -> memref<512xi32, #tpu.memory_space<hbm>>
    %dma_wait3A_572 = arith.constant 7168 : i32
    %dma_wait3A_573 = tpu.memref_slice %arg6[%dma_wait3A_572] : memref<13312xi32, #tpu.memory_space<vmem>> -> memref<512xi32, #tpu.memory_space<vmem>>
    %dma_wait3A_574 = tpu.memref_slice %arg2[%add3A_562] : memref<425984xi32, #tpu.memory_space<hbm>> -> memref<512xi32, #tpu.memory_space<hbm>>
    tpu.wait_dma2 semaphore(%arg10 : memref<!tpu.dma_semaphore, #tpu.memory_space<semaphore_mem>>) src(%dma_wait3A_574 : memref<512xi32, #tpu.memory_space<hbm>>) dst(%dma_wait3A_573 : memref<512xi32, #tpu.memory_space<vmem>>)
    %add3A_575 = arith.constant 245760 : i32
    %add3A_576 = arith.addi %add3A_575, %mul3A_2 : i32
    %dma_start3A_577 = arith.constant 7680 : i32
    %dma_start3A_578 = tpu.memref_slice %arg6[%dma_start3A_577] : memref<13312xi32, #tpu.memory_space<vmem>> -> memref<512xi32, #tpu.memory_space<vmem>>
    %dma_start3A_579 = tpu.memref_slice %arg2[%add3A_576] : memref<425984xi32, #tpu.memory_space<hbm>> -> memref<512xi32, #tpu.memory_space<hbm>>
    %dma_start3A_580 = arith.constant 7680 : i32
    %dma_start3A_581 = tpu.memref_slice %arg6[%dma_start3A_580] : memref<13312xi32, #tpu.memory_space<vmem>> -> memref<512xi32, #tpu.memory_space<vmem>>
    %dma_start3A_582 = tpu.memref_slice %arg2[%add3A_576] : memref<425984xi32, #tpu.memory_space<hbm>> -> memref<512xi32, #tpu.memory_space<hbm>>
    tpu.enqueue_dma source(%dma_start3A_582 : memref<512xi32, #tpu.memory_space<hbm>>) target(%dma_start3A_581 : memref<512xi32, #tpu.memory_space<vmem>>) target_semaphore(%arg10 : memref<!tpu.dma_semaphore, #tpu.memory_space<semaphore_mem>>)
    %dma_wait3A_583 = arith.constant 7680 : i32
    %dma_wait3A_584 = tpu.memref_slice %arg6[%dma_wait3A_583] : memref<13312xi32, #tpu.memory_space<vmem>> -> memref<512xi32, #tpu.memory_space<vmem>>
    %dma_wait3A_585 = tpu.memref_slice %arg2[%add3A_576] : memref<425984xi32, #tpu.memory_space<hbm>> -> memref<512xi32, #tpu.memory_space<hbm>>
    %dma_wait3A_586 = arith.constant 7680 : i32
    %dma_wait3A_587 = tpu.memref_slice %arg6[%dma_wait3A_586] : memref<13312xi32, #tpu.memory_space<vmem>> -> memref<512xi32, #tpu.memory_space<vmem>>
    %dma_wait3A_588 = tpu.memref_slice %arg2[%add3A_576] : memref<425984xi32, #tpu.memory_space<hbm>> -> memref<512xi32, #tpu.memory_space<hbm>>
    tpu.wait_dma2 semaphore(%arg10 : memref<!tpu.dma_semaphore, #tpu.memory_space<semaphore_mem>>) src(%dma_wait3A_588 : memref<512xi32, #tpu.memory_space<hbm>>) dst(%dma_wait3A_587 : memref<512xi32, #tpu.memory_space<vmem>>)
    %add3A_589 = arith.constant 262144 : i32
    %add3A_590 = arith.addi %add3A_589, %mul3A_2 : i32
    %dma_start3A_591 = arith.constant 8192 : i32
    %dma_start3A_592 = tpu.memref_slice %arg6[%dma_start3A_591] : memref<13312xi32, #tpu.memory_space<vmem>> -> memref<512xi32, #tpu.memory_space<vmem>>
    %dma_start3A_593 = tpu.memref_slice %arg2[%add3A_590] : memref<425984xi32, #tpu.memory_space<hbm>> -> memref<512xi32, #tpu.memory_space<hbm>>
    %dma_start3A_594 = arith.constant 8192 : i32
    %dma_start3A_595 = tpu.memref_slice %arg6[%dma_start3A_594] : memref<13312xi32, #tpu.memory_space<vmem>> -> memref<512xi32, #tpu.memory_space<vmem>>
    %dma_start3A_596 = tpu.memref_slice %arg2[%add3A_590] : memref<425984xi32, #tpu.memory_space<hbm>> -> memref<512xi32, #tpu.memory_space<hbm>>
    tpu.enqueue_dma source(%dma_start3A_596 : memref<512xi32, #tpu.memory_space<hbm>>) target(%dma_start3A_595 : memref<512xi32, #tpu.memory_space<vmem>>) target_semaphore(%arg10 : memref<!tpu.dma_semaphore, #tpu.memory_space<semaphore_mem>>)
    %dma_wait3A_597 = arith.constant 8192 : i32
    %dma_wait3A_598 = tpu.memref_slice %arg6[%dma_wait3A_597] : memref<13312xi32, #tpu.memory_space<vmem>> -> memref<512xi32, #tpu.memory_space<vmem>>
    %dma_wait3A_599 = tpu.memref_slice %arg2[%add3A_590] : memref<425984xi32, #tpu.memory_space<hbm>> -> memref<512xi32, #tpu.memory_space<hbm>>
    %dma_wait3A_600 = arith.constant 8192 : i32
    %dma_wait3A_601 = tpu.memref_slice %arg6[%dma_wait3A_600] : memref<13312xi32, #tpu.memory_space<vmem>> -> memref<512xi32, #tpu.memory_space<vmem>>
    %dma_wait3A_602 = tpu.memref_slice %arg2[%add3A_590] : memref<425984xi32, #tpu.memory_space<hbm>> -> memref<512xi32, #tpu.memory_space<hbm>>
    tpu.wait_dma2 semaphore(%arg10 : memref<!tpu.dma_semaphore, #tpu.memory_space<semaphore_mem>>) src(%dma_wait3A_602 : memref<512xi32, #tpu.memory_space<hbm>>) dst(%dma_wait3A_601 : memref<512xi32, #tpu.memory_space<vmem>>)
    %add3A_603 = arith.constant 278528 : i32
    %add3A_604 = arith.addi %add3A_603, %mul3A_2 : i32
    %dma_start3A_605 = arith.constant 8704 : i32
    %dma_start3A_606 = tpu.memref_slice %arg6[%dma_start3A_605] : memref<13312xi32, #tpu.memory_space<vmem>> -> memref<512xi32, #tpu.memory_space<vmem>>
    %dma_start3A_607 = tpu.memref_slice %arg2[%add3A_604] : memref<425984xi32, #tpu.memory_space<hbm>> -> memref<512xi32, #tpu.memory_space<hbm>>
    %dma_start3A_608 = arith.constant 8704 : i32
    %dma_start3A_609 = tpu.memref_slice %arg6[%dma_start3A_608] : memref<13312xi32, #tpu.memory_space<vmem>> -> memref<512xi32, #tpu.memory_space<vmem>>
    %dma_start3A_610 = tpu.memref_slice %arg2[%add3A_604] : memref<425984xi32, #tpu.memory_space<hbm>> -> memref<512xi32, #tpu.memory_space<hbm>>
    tpu.enqueue_dma source(%dma_start3A_610 : memref<512xi32, #tpu.memory_space<hbm>>) target(%dma_start3A_609 : memref<512xi32, #tpu.memory_space<vmem>>) target_semaphore(%arg10 : memref<!tpu.dma_semaphore, #tpu.memory_space<semaphore_mem>>)
    %dma_wait3A_611 = arith.constant 8704 : i32
    %dma_wait3A_612 = tpu.memref_slice %arg6[%dma_wait3A_611] : memref<13312xi32, #tpu.memory_space<vmem>> -> memref<512xi32, #tpu.memory_space<vmem>>
    %dma_wait3A_613 = tpu.memref_slice %arg2[%add3A_604] : memref<425984xi32, #tpu.memory_space<hbm>> -> memref<512xi32, #tpu.memory_space<hbm>>
    %dma_wait3A_614 = arith.constant 8704 : i32
    %dma_wait3A_615 = tpu.memref_slice %arg6[%dma_wait3A_614] : memref<13312xi32, #tpu.memory_space<vmem>> -> memref<512xi32, #tpu.memory_space<vmem>>
    %dma_wait3A_616 = tpu.memref_slice %arg2[%add3A_604] : memref<425984xi32, #tpu.memory_space<hbm>> -> memref<512xi32, #tpu.memory_space<hbm>>
    tpu.wait_dma2 semaphore(%arg10 : memref<!tpu.dma_semaphore, #tpu.memory_space<semaphore_mem>>) src(%dma_wait3A_616 : memref<512xi32, #tpu.memory_space<hbm>>) dst(%dma_wait3A_615 : memref<512xi32, #tpu.memory_space<vmem>>)
    %add3A_617 = arith.constant 294912 : i32
    %add3A_618 = arith.addi %add3A_617, %mul3A_2 : i32
    %dma_start3A_619 = arith.constant 9216 : i32
    %dma_start3A_620 = tpu.memref_slice %arg6[%dma_start3A_619] : memref<13312xi32, #tpu.memory_space<vmem>> -> memref<512xi32, #tpu.memory_space<vmem>>
    %dma_start3A_621 = tpu.memref_slice %arg2[%add3A_618] : memref<425984xi32, #tpu.memory_space<hbm>> -> memref<512xi32, #tpu.memory_space<hbm>>
    %dma_start3A_622 = arith.constant 9216 : i32
    %dma_start3A_623 = tpu.memref_slice %arg6[%dma_start3A_622] : memref<13312xi32, #tpu.memory_space<vmem>> -> memref<512xi32, #tpu.memory_space<vmem>>
    %dma_start3A_624 = tpu.memref_slice %arg2[%add3A_618] : memref<425984xi32, #tpu.memory_space<hbm>> -> memref<512xi32, #tpu.memory_space<hbm>>
    tpu.enqueue_dma source(%dma_start3A_624 : memref<512xi32, #tpu.memory_space<hbm>>) target(%dma_start3A_623 : memref<512xi32, #tpu.memory_space<vmem>>) target_semaphore(%arg10 : memref<!tpu.dma_semaphore, #tpu.memory_space<semaphore_mem>>)
    %dma_wait3A_625 = arith.constant 9216 : i32
    %dma_wait3A_626 = tpu.memref_slice %arg6[%dma_wait3A_625] : memref<13312xi32, #tpu.memory_space<vmem>> -> memref<512xi32, #tpu.memory_space<vmem>>
    %dma_wait3A_627 = tpu.memref_slice %arg2[%add3A_618] : memref<425984xi32, #tpu.memory_space<hbm>> -> memref<512xi32, #tpu.memory_space<hbm>>
    %dma_wait3A_628 = arith.constant 9216 : i32
    %dma_wait3A_629 = tpu.memref_slice %arg6[%dma_wait3A_628] : memref<13312xi32, #tpu.memory_space<vmem>> -> memref<512xi32, #tpu.memory_space<vmem>>
    %dma_wait3A_630 = tpu.memref_slice %arg2[%add3A_618] : memref<425984xi32, #tpu.memory_space<hbm>> -> memref<512xi32, #tpu.memory_space<hbm>>
    tpu.wait_dma2 semaphore(%arg10 : memref<!tpu.dma_semaphore, #tpu.memory_space<semaphore_mem>>) src(%dma_wait3A_630 : memref<512xi32, #tpu.memory_space<hbm>>) dst(%dma_wait3A_629 : memref<512xi32, #tpu.memory_space<vmem>>)
    %add3A_631 = arith.constant 311296 : i32
    %add3A_632 = arith.addi %add3A_631, %mul3A_2 : i32
    %dma_start3A_633 = arith.constant 9728 : i32
    %dma_start3A_634 = tpu.memref_slice %arg6[%dma_start3A_633] : memref<13312xi32, #tpu.memory_space<vmem>> -> memref<512xi32, #tpu.memory_space<vmem>>
    %dma_start3A_635 = tpu.memref_slice %arg2[%add3A_632] : memref<425984xi32, #tpu.memory_space<hbm>> -> memref<512xi32, #tpu.memory_space<hbm>>
    %dma_start3A_636 = arith.constant 9728 : i32
    %dma_start3A_637 = tpu.memref_slice %arg6[%dma_start3A_636] : memref<13312xi32, #tpu.memory_space<vmem>> -> memref<512xi32, #tpu.memory_space<vmem>>
    %dma_start3A_638 = tpu.memref_slice %arg2[%add3A_632] : memref<425984xi32, #tpu.memory_space<hbm>> -> memref<512xi32, #tpu.memory_space<hbm>>
    tpu.enqueue_dma source(%dma_start3A_638 : memref<512xi32, #tpu.memory_space<hbm>>) target(%dma_start3A_637 : memref<512xi32, #tpu.memory_space<vmem>>) target_semaphore(%arg10 : memref<!tpu.dma_semaphore, #tpu.memory_space<semaphore_mem>>)
    %dma_wait3A_639 = arith.constant 9728 : i32
    %dma_wait3A_640 = tpu.memref_slice %arg6[%dma_wait3A_639] : memref<13312xi32, #tpu.memory_space<vmem>> -> memref<512xi32, #tpu.memory_space<vmem>>
    %dma_wait3A_641 = tpu.memref_slice %arg2[%add3A_632] : memref<425984xi32, #tpu.memory_space<hbm>> -> memref<512xi32, #tpu.memory_space<hbm>>
    %dma_wait3A_642 = arith.constant 9728 : i32
    %dma_wait3A_643 = tpu.memref_slice %arg6[%dma_wait3A_642] : memref<13312xi32, #tpu.memory_space<vmem>> -> memref<512xi32, #tpu.memory_space<vmem>>
    %dma_wait3A_644 = tpu.memref_slice %arg2[%add3A_632] : memref<425984xi32, #tpu.memory_space<hbm>> -> memref<512xi32, #tpu.memory_space<hbm>>
    tpu.wait_dma2 semaphore(%arg10 : memref<!tpu.dma_semaphore, #tpu.memory_space<semaphore_mem>>) src(%dma_wait3A_644 : memref<512xi32, #tpu.memory_space<hbm>>) dst(%dma_wait3A_643 : memref<512xi32, #tpu.memory_space<vmem>>)
    %add3A_645 = arith.constant 327680 : i32
    %add3A_646 = arith.addi %add3A_645, %mul3A_2 : i32
    %dma_start3A_647 = arith.constant 10240 : i32
    %dma_start3A_648 = tpu.memref_slice %arg6[%dma_start3A_647] : memref<13312xi32, #tpu.memory_space<vmem>> -> memref<512xi32, #tpu.memory_space<vmem>>
    %dma_start3A_649 = tpu.memref_slice %arg2[%add3A_646] : memref<425984xi32, #tpu.memory_space<hbm>> -> memref<512xi32, #tpu.memory_space<hbm>>
    %dma_start3A_650 = arith.constant 10240 : i32
    %dma_start3A_651 = tpu.memref_slice %arg6[%dma_start3A_650] : memref<13312xi32, #tpu.memory_space<vmem>> -> memref<512xi32, #tpu.memory_space<vmem>>
    %dma_start3A_652 = tpu.memref_slice %arg2[%add3A_646] : memref<425984xi32, #tpu.memory_space<hbm>> -> memref<512xi32, #tpu.memory_space<hbm>>
    tpu.enqueue_dma source(%dma_start3A_652 : memref<512xi32, #tpu.memory_space<hbm>>) target(%dma_start3A_651 : memref<512xi32, #tpu.memory_space<vmem>>) target_semaphore(%arg10 : memref<!tpu.dma_semaphore, #tpu.memory_space<semaphore_mem>>)
    %dma_wait3A_653 = arith.constant 10240 : i32
    %dma_wait3A_654 = tpu.memref_slice %arg6[%dma_wait3A_653] : memref<13312xi32, #tpu.memory_space<vmem>> -> memref<512xi32, #tpu.memory_space<vmem>>
    %dma_wait3A_655 = tpu.memref_slice %arg2[%add3A_646] : memref<425984xi32, #tpu.memory_space<hbm>> -> memref<512xi32, #tpu.memory_space<hbm>>
    %dma_wait3A_656 = arith.constant 10240 : i32
    %dma_wait3A_657 = tpu.memref_slice %arg6[%dma_wait3A_656] : memref<13312xi32, #tpu.memory_space<vmem>> -> memref<512xi32, #tpu.memory_space<vmem>>
    %dma_wait3A_658 = tpu.memref_slice %arg2[%add3A_646] : memref<425984xi32, #tpu.memory_space<hbm>> -> memref<512xi32, #tpu.memory_space<hbm>>
    tpu.wait_dma2 semaphore(%arg10 : memref<!tpu.dma_semaphore, #tpu.memory_space<semaphore_mem>>) src(%dma_wait3A_658 : memref<512xi32, #tpu.memory_space<hbm>>) dst(%dma_wait3A_657 : memref<512xi32, #tpu.memory_space<vmem>>)
    %add3A_659 = arith.constant 344064 : i32
    %add3A_660 = arith.addi %add3A_659, %mul3A_2 : i32
    %dma_start3A_661 = arith.constant 10752 : i32
    %dma_start3A_662 = tpu.memref_slice %arg6[%dma_start3A_661] : memref<13312xi32, #tpu.memory_space<vmem>> -> memref<512xi32, #tpu.memory_space<vmem>>
    %dma_start3A_663 = tpu.memref_slice %arg2[%add3A_660] : memref<425984xi32, #tpu.memory_space<hbm>> -> memref<512xi32, #tpu.memory_space<hbm>>
    %dma_start3A_664 = arith.constant 10752 : i32
    %dma_start3A_665 = tpu.memref_slice %arg6[%dma_start3A_664] : memref<13312xi32, #tpu.memory_space<vmem>> -> memref<512xi32, #tpu.memory_space<vmem>>
    %dma_start3A_666 = tpu.memref_slice %arg2[%add3A_660] : memref<425984xi32, #tpu.memory_space<hbm>> -> memref<512xi32, #tpu.memory_space<hbm>>
    tpu.enqueue_dma source(%dma_start3A_666 : memref<512xi32, #tpu.memory_space<hbm>>) target(%dma_start3A_665 : memref<512xi32, #tpu.memory_space<vmem>>) target_semaphore(%arg10 : memref<!tpu.dma_semaphore, #tpu.memory_space<semaphore_mem>>)
    %dma_wait3A_667 = arith.constant 10752 : i32
    %dma_wait3A_668 = tpu.memref_slice %arg6[%dma_wait3A_667] : memref<13312xi32, #tpu.memory_space<vmem>> -> memref<512xi32, #tpu.memory_space<vmem>>
    %dma_wait3A_669 = tpu.memref_slice %arg2[%add3A_660] : memref<425984xi32, #tpu.memory_space<hbm>> -> memref<512xi32, #tpu.memory_space<hbm>>
    %dma_wait3A_670 = arith.constant 10752 : i32
    %dma_wait3A_671 = tpu.memref_slice %arg6[%dma_wait3A_670] : memref<13312xi32, #tpu.memory_space<vmem>> -> memref<512xi32, #tpu.memory_space<vmem>>
    %dma_wait3A_672 = tpu.memref_slice %arg2[%add3A_660] : memref<425984xi32, #tpu.memory_space<hbm>> -> memref<512xi32, #tpu.memory_space<hbm>>
    tpu.wait_dma2 semaphore(%arg10 : memref<!tpu.dma_semaphore, #tpu.memory_space<semaphore_mem>>) src(%dma_wait3A_672 : memref<512xi32, #tpu.memory_space<hbm>>) dst(%dma_wait3A_671 : memref<512xi32, #tpu.memory_space<vmem>>)
    %add3A_673 = arith.constant 360448 : i32
    %add3A_674 = arith.addi %add3A_673, %mul3A_2 : i32
    %dma_start3A_675 = arith.constant 11264 : i32
    %dma_start3A_676 = tpu.memref_slice %arg6[%dma_start3A_675] : memref<13312xi32, #tpu.memory_space<vmem>> -> memref<512xi32, #tpu.memory_space<vmem>>
    %dma_start3A_677 = tpu.memref_slice %arg2[%add3A_674] : memref<425984xi32, #tpu.memory_space<hbm>> -> memref<512xi32, #tpu.memory_space<hbm>>
    %dma_start3A_678 = arith.constant 11264 : i32
    %dma_start3A_679 = tpu.memref_slice %arg6[%dma_start3A_678] : memref<13312xi32, #tpu.memory_space<vmem>> -> memref<512xi32, #tpu.memory_space<vmem>>
    %dma_start3A_680 = tpu.memref_slice %arg2[%add3A_674] : memref<425984xi32, #tpu.memory_space<hbm>> -> memref<512xi32, #tpu.memory_space<hbm>>
    tpu.enqueue_dma source(%dma_start3A_680 : memref<512xi32, #tpu.memory_space<hbm>>) target(%dma_start3A_679 : memref<512xi32, #tpu.memory_space<vmem>>) target_semaphore(%arg10 : memref<!tpu.dma_semaphore, #tpu.memory_space<semaphore_mem>>)
    %dma_wait3A_681 = arith.constant 11264 : i32
    %dma_wait3A_682 = tpu.memref_slice %arg6[%dma_wait3A_681] : memref<13312xi32, #tpu.memory_space<vmem>> -> memref<512xi32, #tpu.memory_space<vmem>>
    %dma_wait3A_683 = tpu.memref_slice %arg2[%add3A_674] : memref<425984xi32, #tpu.memory_space<hbm>> -> memref<512xi32, #tpu.memory_space<hbm>>
    %dma_wait3A_684 = arith.constant 11264 : i32
    %dma_wait3A_685 = tpu.memref_slice %arg6[%dma_wait3A_684] : memref<13312xi32, #tpu.memory_space<vmem>> -> memref<512xi32, #tpu.memory_space<vmem>>
    %dma_wait3A_686 = tpu.memref_slice %arg2[%add3A_674] : memref<425984xi32, #tpu.memory_space<hbm>> -> memref<512xi32, #tpu.memory_space<hbm>>
    tpu.wait_dma2 semaphore(%arg10 : memref<!tpu.dma_semaphore, #tpu.memory_space<semaphore_mem>>) src(%dma_wait3A_686 : memref<512xi32, #tpu.memory_space<hbm>>) dst(%dma_wait3A_685 : memref<512xi32, #tpu.memory_space<vmem>>)
    %add3A_687 = arith.constant 376832 : i32
    %add3A_688 = arith.addi %add3A_687, %mul3A_2 : i32
    %dma_start3A_689 = arith.constant 11776 : i32
    %dma_start3A_690 = tpu.memref_slice %arg6[%dma_start3A_689] : memref<13312xi32, #tpu.memory_space<vmem>> -> memref<512xi32, #tpu.memory_space<vmem>>
    %dma_start3A_691 = tpu.memref_slice %arg2[%add3A_688] : memref<425984xi32, #tpu.memory_space<hbm>> -> memref<512xi32, #tpu.memory_space<hbm>>
    %dma_start3A_692 = arith.constant 11776 : i32
    %dma_start3A_693 = tpu.memref_slice %arg6[%dma_start3A_692] : memref<13312xi32, #tpu.memory_space<vmem>> -> memref<512xi32, #tpu.memory_space<vmem>>
    %dma_start3A_694 = tpu.memref_slice %arg2[%add3A_688] : memref<425984xi32, #tpu.memory_space<hbm>> -> memref<512xi32, #tpu.memory_space<hbm>>
    tpu.enqueue_dma source(%dma_start3A_694 : memref<512xi32, #tpu.memory_space<hbm>>) target(%dma_start3A_693 : memref<512xi32, #tpu.memory_space<vmem>>) target_semaphore(%arg10 : memref<!tpu.dma_semaphore, #tpu.memory_space<semaphore_mem>>)
    %dma_wait3A_695 = arith.constant 11776 : i32
    %dma_wait3A_696 = tpu.memref_slice %arg6[%dma_wait3A_695] : memref<13312xi32, #tpu.memory_space<vmem>> -> memref<512xi32, #tpu.memory_space<vmem>>
    %dma_wait3A_697 = tpu.memref_slice %arg2[%add3A_688] : memref<425984xi32, #tpu.memory_space<hbm>> -> memref<512xi32, #tpu.memory_space<hbm>>
    %dma_wait3A_698 = arith.constant 11776 : i32
    %dma_wait3A_699 = tpu.memref_slice %arg6[%dma_wait3A_698] : memref<13312xi32, #tpu.memory_space<vmem>> -> memref<512xi32, #tpu.memory_space<vmem>>
    %dma_wait3A_700 = tpu.memref_slice %arg2[%add3A_688] : memref<425984xi32, #tpu.memory_space<hbm>> -> memref<512xi32, #tpu.memory_space<hbm>>
    tpu.wait_dma2 semaphore(%arg10 : memref<!tpu.dma_semaphore, #tpu.memory_space<semaphore_mem>>) src(%dma_wait3A_700 : memref<512xi32, #tpu.memory_space<hbm>>) dst(%dma_wait3A_699 : memref<512xi32, #tpu.memory_space<vmem>>)
    %add3A_701 = arith.constant 393216 : i32
    %add3A_702 = arith.addi %add3A_701, %mul3A_2 : i32
    %dma_start3A_703 = arith.constant 12288 : i32
    %dma_start3A_704 = tpu.memref_slice %arg6[%dma_start3A_703] : memref<13312xi32, #tpu.memory_space<vmem>> -> memref<512xi32, #tpu.memory_space<vmem>>
    %dma_start3A_705 = tpu.memref_slice %arg2[%add3A_702] : memref<425984xi32, #tpu.memory_space<hbm>> -> memref<512xi32, #tpu.memory_space<hbm>>
    %dma_start3A_706 = arith.constant 12288 : i32
    %dma_start3A_707 = tpu.memref_slice %arg6[%dma_start3A_706] : memref<13312xi32, #tpu.memory_space<vmem>> -> memref<512xi32, #tpu.memory_space<vmem>>
    %dma_start3A_708 = tpu.memref_slice %arg2[%add3A_702] : memref<425984xi32, #tpu.memory_space<hbm>> -> memref<512xi32, #tpu.memory_space<hbm>>
    tpu.enqueue_dma source(%dma_start3A_708 : memref<512xi32, #tpu.memory_space<hbm>>) target(%dma_start3A_707 : memref<512xi32, #tpu.memory_space<vmem>>) target_semaphore(%arg10 : memref<!tpu.dma_semaphore, #tpu.memory_space<semaphore_mem>>)
    %dma_wait3A_709 = arith.constant 12288 : i32
    %dma_wait3A_710 = tpu.memref_slice %arg6[%dma_wait3A_709] : memref<13312xi32, #tpu.memory_space<vmem>> -> memref<512xi32, #tpu.memory_space<vmem>>
    %dma_wait3A_711 = tpu.memref_slice %arg2[%add3A_702] : memref<425984xi32, #tpu.memory_space<hbm>> -> memref<512xi32, #tpu.memory_space<hbm>>
    %dma_wait3A_712 = arith.constant 12288 : i32
    %dma_wait3A_713 = tpu.memref_slice %arg6[%dma_wait3A_712] : memref<13312xi32, #tpu.memory_space<vmem>> -> memref<512xi32, #tpu.memory_space<vmem>>
    %dma_wait3A_714 = tpu.memref_slice %arg2[%add3A_702] : memref<425984xi32, #tpu.memory_space<hbm>> -> memref<512xi32, #tpu.memory_space<hbm>>
    tpu.wait_dma2 semaphore(%arg10 : memref<!tpu.dma_semaphore, #tpu.memory_space<semaphore_mem>>) src(%dma_wait3A_714 : memref<512xi32, #tpu.memory_space<hbm>>) dst(%dma_wait3A_713 : memref<512xi32, #tpu.memory_space<vmem>>)
    %add3A_715 = arith.constant 409600 : i32
    %add3A_716 = arith.addi %add3A_715, %mul3A_2 : i32
    %dma_start3A_717 = arith.constant 12800 : i32
    %dma_start3A_718 = tpu.memref_slice %arg6[%dma_start3A_717] : memref<13312xi32, #tpu.memory_space<vmem>> -> memref<512xi32, #tpu.memory_space<vmem>>
    %dma_start3A_719 = tpu.memref_slice %arg2[%add3A_716] : memref<425984xi32, #tpu.memory_space<hbm>> -> memref<512xi32, #tpu.memory_space<hbm>>
    %dma_start3A_720 = arith.constant 12800 : i32
    %dma_start3A_721 = tpu.memref_slice %arg6[%dma_start3A_720] : memref<13312xi32, #tpu.memory_space<vmem>> -> memref<512xi32, #tpu.memory_space<vmem>>
    %dma_start3A_722 = tpu.memref_slice %arg2[%add3A_716] : memref<425984xi32, #tpu.memory_space<hbm>> -> memref<512xi32, #tpu.memory_space<hbm>>
    tpu.enqueue_dma source(%dma_start3A_722 : memref<512xi32, #tpu.memory_space<hbm>>) target(%dma_start3A_721 : memref<512xi32, #tpu.memory_space<vmem>>) target_semaphore(%arg10 : memref<!tpu.dma_semaphore, #tpu.memory_space<semaphore_mem>>)
    %dma_wait3A_723 = arith.constant 12800 : i32
    %dma_wait3A_724 = tpu.memref_slice %arg6[%dma_wait3A_723] : memref<13312xi32, #tpu.memory_space<vmem>> -> memref<512xi32, #tpu.memory_space<vmem>>
    %dma_wait3A_725 = tpu.memref_slice %arg2[%add3A_716] : memref<425984xi32, #tpu.memory_space<hbm>> -> memref<512xi32, #tpu.memory_space<hbm>>
    %dma_wait3A_726 = arith.constant 12800 : i32
    %dma_wait3A_727 = tpu.memref_slice %arg6[%dma_wait3A_726] : memref<13312xi32, #tpu.memory_space<vmem>> -> memref<512xi32, #tpu.memory_space<vmem>>
    %dma_wait3A_728 = tpu.memref_slice %arg2[%add3A_716] : memref<425984xi32, #tpu.memory_space<hbm>> -> memref<512xi32, #tpu.memory_space<hbm>>
    tpu.wait_dma2 semaphore(%arg10 : memref<!tpu.dma_semaphore, #tpu.memory_space<semaphore_mem>>) src(%dma_wait3A_728 : memref<512xi32, #tpu.memory_space<hbm>>) dst(%dma_wait3A_727 : memref<512xi32, #tpu.memory_space<vmem>>)
    %dma_start3A_729 = arith.constant 0 : i32
    %dma_start3A_730 = tpu.memref_slice %arg3[%dma_start3A_729] : memref<1000000xf32, #tpu.memory_space<hbm>> -> memref<1000000xf32, #tpu.memory_space<hbm>>
    tpu.enqueue_indirect_dma source(%dma_start3A_730 : memref<1000000xf32, #tpu.memory_space<hbm>>) target(%arg7 : memref<13312xf32, #tpu.memory_space<vmem>>) offsets(%arg6 : memref<13312xi32, #tpu.memory_space<vmem>>) semaphore(%arg10 : memref<!tpu.dma_semaphore, #tpu.memory_space<semaphore_mem>>)
    %dma_wait3A_731 = arith.constant 0 : i32
    %dma_wait3A_732 = tpu.memref_slice %arg3[%dma_wait3A_731] : memref<1000000xf32, #tpu.memory_space<hbm>> -> memref<1000000xf32, #tpu.memory_space<hbm>>
    tpu.wait_indirect_dma semaphore(%arg10 : memref<!tpu.dma_semaphore, #tpu.memory_space<semaphore_mem>>) src(%dma_wait3A_732 : memref<1000000xf32, #tpu.memory_space<hbm>>) dst(%arg7 : memref<13312xf32, #tpu.memory_space<vmem>>)
    %broadcast_in_dim3A = arith.constant 0 : i32
    %broadcast_in_dim3A_733 = vector.broadcast %broadcast_in_dim3A : i32 to vector<16xi32>
    %gather3A = tpu.vector_load_idx %arg8[%broadcast_in_dim3A_733] : memref<1xf32, #tpu.memory_space<vmem>>[vector<16xi32>], vector<16xf32>,
    %scan3A = arith.constant 0 : i32
    %scan3A_734 = arith.constant 0 : i32
    %scan3A_735 = arith.constant 32 : i32
    %scan3A_736 = arith.addi %scan3A_734, %scan3A_735 : i32
    %scan3A_737 = arith.constant 1 : i32
    %scan3A_738 = scf.for %scan3A_740 = %scan3A_734 to %scan3A_736 step %scan3A_737 iter_args(%scan3A_741 = %scan3A) -> (i32)  : i32 {
      %mul3A_742 = arith.constant 16 : i32
      %mul3A_743 = arith.muli %scan3A_740, %mul3A_742 : i32
      %add3A_744 = arith.constant 0 : i32
      %add3A_745 = arith.addi %add3A_744, %mul3A_743 : i32
      %get3A = arith.index_cast %add3A_745 : i32 to index
      %get3A_746 = tpu.vector_load %arg7[%get3A] {strides = array<i32>} : memref<13312xf32, #tpu.memory_space<vmem>>, vector<16xf32>,
      %add3A_747 = arith.addf %gather3A, %get3A_746 : vector<16xf32>
      %add3A_748 = arith.constant 512 : i32
      %add3A_749 = arith.addi %add3A_748, %mul3A_743 : i32
      %get3A_750 = arith.index_cast %add3A_749 : i32 to index
      %get3A_751 = tpu.vector_load %arg7[%get3A_750] {strides = array<i32>} : memref<13312xf32, #tpu.memory_space<vmem>>, vector<16xf32>,
      %add3A_752 = arith.addf %add3A_747, %get3A_751 : vector<16xf32>
      %add3A_753 = arith.constant 1024 : i32
      %add3A_754 = arith.addi %add3A_753, %mul3A_743 : i32
      %get3A_755 = arith.index_cast %add3A_754 : i32 to index
      %get3A_756 = tpu.vector_load %arg7[%get3A_755] {strides = array<i32>} : memref<13312xf32, #tpu.memory_space<vmem>>, vector<16xf32>,
      %add3A_757 = arith.addf %add3A_752, %get3A_756 : vector<16xf32>
      %add3A_758 = arith.constant 1536 : i32
      %add3A_759 = arith.addi %add3A_758, %mul3A_743 : i32
      %get3A_760 = arith.index_cast %add3A_759 : i32 to index
      %get3A_761 = tpu.vector_load %arg7[%get3A_760] {strides = array<i32>} : memref<13312xf32, #tpu.memory_space<vmem>>, vector<16xf32>,
      %add3A_762 = arith.addf %add3A_757, %get3A_761 : vector<16xf32>
      %add3A_763 = arith.constant 2048 : i32
      %add3A_764 = arith.addi %add3A_763, %mul3A_743 : i32
      %get3A_765 = arith.index_cast %add3A_764 : i32 to index
      %get3A_766 = tpu.vector_load %arg7[%get3A_765] {strides = array<i32>} : memref<13312xf32, #tpu.memory_space<vmem>>, vector<16xf32>,
      %add3A_767 = arith.addf %add3A_762, %get3A_766 : vector<16xf32>
      %add3A_768 = arith.constant 2560 : i32
      %add3A_769 = arith.addi %add3A_768, %mul3A_743 : i32
      %get3A_770 = arith.index_cast %add3A_769 : i32 to index
      %get3A_771 = tpu.vector_load %arg7[%get3A_770] {strides = array<i32>} : memref<13312xf32, #tpu.memory_space<vmem>>, vector<16xf32>,
      %add3A_772 = arith.addf %add3A_767, %get3A_771 : vector<16xf32>
      %add3A_773 = arith.constant 3072 : i32
      %add3A_774 = arith.addi %add3A_773, %mul3A_743 : i32
      %get3A_775 = arith.index_cast %add3A_774 : i32 to index
      %get3A_776 = tpu.vector_load %arg7[%get3A_775] {strides = array<i32>} : memref<13312xf32, #tpu.memory_space<vmem>>, vector<16xf32>,
      %add3A_777 = arith.addf %add3A_772, %get3A_776 : vector<16xf32>
      %add3A_778 = arith.constant 3584 : i32
      %add3A_779 = arith.addi %add3A_778, %mul3A_743 : i32
      %get3A_780 = arith.index_cast %add3A_779 : i32 to index
      %get3A_781 = tpu.vector_load %arg7[%get3A_780] {strides = array<i32>} : memref<13312xf32, #tpu.memory_space<vmem>>, vector<16xf32>,
      %add3A_782 = arith.addf %add3A_777, %get3A_781 : vector<16xf32>
      %add3A_783 = arith.constant 4096 : i32
      %add3A_784 = arith.addi %add3A_783, %mul3A_743 : i32
      %get3A_785 = arith.index_cast %add3A_784 : i32 to index
      %get3A_786 = tpu.vector_load %arg7[%get3A_785] {strides = array<i32>} : memref<13312xf32, #tpu.memory_space<vmem>>, vector<16xf32>,
      %add3A_787 = arith.addf %add3A_782, %get3A_786 : vector<16xf32>
      %add3A_788 = arith.constant 4608 : i32
      %add3A_789 = arith.addi %add3A_788, %mul3A_743 : i32
      %get3A_790 = arith.index_cast %add3A_789 : i32 to index
      %get3A_791 = tpu.vector_load %arg7[%get3A_790] {strides = array<i32>} : memref<13312xf32, #tpu.memory_space<vmem>>, vector<16xf32>,
      %add3A_792 = arith.addf %add3A_787, %get3A_791 : vector<16xf32>
      %add3A_793 = arith.constant 5120 : i32
      %add3A_794 = arith.addi %add3A_793, %mul3A_743 : i32
      %get3A_795 = arith.index_cast %add3A_794 : i32 to index
      %get3A_796 = tpu.vector_load %arg7[%get3A_795] {strides = array<i32>} : memref<13312xf32, #tpu.memory_space<vmem>>, vector<16xf32>,
      %add3A_797 = arith.addf %add3A_792, %get3A_796 : vector<16xf32>
      %add3A_798 = arith.constant 5632 : i32
      %add3A_799 = arith.addi %add3A_798, %mul3A_743 : i32
      %get3A_800 = arith.index_cast %add3A_799 : i32 to index
      %get3A_801 = tpu.vector_load %arg7[%get3A_800] {strides = array<i32>} : memref<13312xf32, #tpu.memory_space<vmem>>, vector<16xf32>,
      %add3A_802 = arith.addf %add3A_797, %get3A_801 : vector<16xf32>
      %add3A_803 = arith.constant 6144 : i32
      %add3A_804 = arith.addi %add3A_803, %mul3A_743 : i32
      %get3A_805 = arith.index_cast %add3A_804 : i32 to index
      %get3A_806 = tpu.vector_load %arg7[%get3A_805] {strides = array<i32>} : memref<13312xf32, #tpu.memory_space<vmem>>, vector<16xf32>,
      %add3A_807 = arith.addf %add3A_802, %get3A_806 : vector<16xf32>
      %add3A_808 = arith.constant 6656 : i32
      %add3A_809 = arith.addi %add3A_808, %mul3A_743 : i32
      %get3A_810 = arith.index_cast %add3A_809 : i32 to index
      %get3A_811 = tpu.vector_load %arg7[%get3A_810] {strides = array<i32>} : memref<13312xf32, #tpu.memory_space<vmem>>, vector<16xf32>,
      %add3A_812 = arith.addf %add3A_807, %get3A_811 : vector<16xf32>
      %add3A_813 = arith.constant 7168 : i32
      %add3A_814 = arith.addi %add3A_813, %mul3A_743 : i32
      %get3A_815 = arith.index_cast %add3A_814 : i32 to index
      %get3A_816 = tpu.vector_load %arg7[%get3A_815] {strides = array<i32>} : memref<13312xf32, #tpu.memory_space<vmem>>, vector<16xf32>,
      %add3A_817 = arith.addf %add3A_812, %get3A_816 : vector<16xf32>
      %add3A_818 = arith.constant 7680 : i32
      %add3A_819 = arith.addi %add3A_818, %mul3A_743 : i32
      %get3A_820 = arith.index_cast %add3A_819 : i32 to index
      %get3A_821 = tpu.vector_load %arg7[%get3A_820] {strides = array<i32>} : memref<13312xf32, #tpu.memory_space<vmem>>, vector<16xf32>,
      %add3A_822 = arith.addf %add3A_817, %get3A_821 : vector<16xf32>
      %add3A_823 = arith.constant 8192 : i32
      %add3A_824 = arith.addi %add3A_823, %mul3A_743 : i32
      %get3A_825 = arith.index_cast %add3A_824 : i32 to index
      %get3A_826 = tpu.vector_load %arg7[%get3A_825] {strides = array<i32>} : memref<13312xf32, #tpu.memory_space<vmem>>, vector<16xf32>,
      %add3A_827 = arith.addf %add3A_822, %get3A_826 : vector<16xf32>
      %add3A_828 = arith.constant 8704 : i32
      %add3A_829 = arith.addi %add3A_828, %mul3A_743 : i32
      %get3A_830 = arith.index_cast %add3A_829 : i32 to index
      %get3A_831 = tpu.vector_load %arg7[%get3A_830] {strides = array<i32>} : memref<13312xf32, #tpu.memory_space<vmem>>, vector<16xf32>,
      %add3A_832 = arith.addf %add3A_827, %get3A_831 : vector<16xf32>
      %add3A_833 = arith.constant 9216 : i32
      %add3A_834 = arith.addi %add3A_833, %mul3A_743 : i32
      %get3A_835 = arith.index_cast %add3A_834 : i32 to index
      %get3A_836 = tpu.vector_load %arg7[%get3A_835] {strides = array<i32>} : memref<13312xf32, #tpu.memory_space<vmem>>, vector<16xf32>,
      %add3A_837 = arith.addf %add3A_832, %get3A_836 : vector<16xf32>
      %add3A_838 = arith.constant 9728 : i32
      %add3A_839 = arith.addi %add3A_838, %mul3A_743 : i32
      %get3A_840 = arith.index_cast %add3A_839 : i32 to index
      %get3A_841 = tpu.vector_load %arg7[%get3A_840] {strides = array<i32>} : memref<13312xf32, #tpu.memory_space<vmem>>, vector<16xf32>,
      %add3A_842 = arith.addf %add3A_837, %get3A_841 : vector<16xf32>
      %add3A_843 = arith.constant 10240 : i32
      %add3A_844 = arith.addi %add3A_843, %mul3A_743 : i32
      %get3A_845 = arith.index_cast %add3A_844 : i32 to index
      %get3A_846 = tpu.vector_load %arg7[%get3A_845] {strides = array<i32>} : memref<13312xf32, #tpu.memory_space<vmem>>, vector<16xf32>,
      %add3A_847 = arith.addf %add3A_842, %get3A_846 : vector<16xf32>
      %add3A_848 = arith.constant 10752 : i32
      %add3A_849 = arith.addi %add3A_848, %mul3A_743 : i32
      %get3A_850 = arith.index_cast %add3A_849 : i32 to index
      %get3A_851 = tpu.vector_load %arg7[%get3A_850] {strides = array<i32>} : memref<13312xf32, #tpu.memory_space<vmem>>, vector<16xf32>,
      %add3A_852 = arith.addf %add3A_847, %get3A_851 : vector<16xf32>
      %add3A_853 = arith.constant 11264 : i32
      %add3A_854 = arith.addi %add3A_853, %mul3A_743 : i32
      %get3A_855 = arith.index_cast %add3A_854 : i32 to index
      %get3A_856 = tpu.vector_load %arg7[%get3A_855] {strides = array<i32>} : memref<13312xf32, #tpu.memory_space<vmem>>, vector<16xf32>,
      %add3A_857 = arith.addf %add3A_852, %get3A_856 : vector<16xf32>
      %add3A_858 = arith.constant 11776 : i32
      %add3A_859 = arith.addi %add3A_858, %mul3A_743 : i32
      %get3A_860 = arith.index_cast %add3A_859 : i32 to index
      %get3A_861 = tpu.vector_load %arg7[%get3A_860] {strides = array<i32>} : memref<13312xf32, #tpu.memory_space<vmem>>, vector<16xf32>,
      %add3A_862 = arith.addf %add3A_857, %get3A_861 : vector<16xf32>
      %add3A_863 = arith.constant 12288 : i32
      %add3A_864 = arith.addi %add3A_863, %mul3A_743 : i32
      %get3A_865 = arith.index_cast %add3A_864 : i32 to index
      %get3A_866 = tpu.vector_load %arg7[%get3A_865] {strides = array<i32>} : memref<13312xf32, #tpu.memory_space<vmem>>, vector<16xf32>,
      %add3A_867 = arith.addf %add3A_862, %get3A_866 : vector<16xf32>
      %add3A_868 = arith.constant 12800 : i32
      %add3A_869 = arith.addi %add3A_868, %mul3A_743 : i32
      %get3A_870 = arith.index_cast %add3A_869 : i32 to index
      %get3A_871 = tpu.vector_load %arg7[%get3A_870] {strides = array<i32>} : memref<13312xf32, #tpu.memory_space<vmem>>, vector<16xf32>,
      %add3A_872 = arith.addf %add3A_867, %get3A_871 : vector<16xf32>
      %swap3A = arith.index_cast %mul3A_743 : i32 to index
      %swap3A_873 = tpu.vector_load %arg9[%swap3A] {strides = array<i32>} : memref<512xf32, #tpu.memory_space<vmem>>, vector<16xf32>,
      tpu.vector_store %arg9[%swap3A], %add3A_872 {strides = array<i32>} : memref<512xf32, #tpu.memory_space<vmem>>, vector<16xf32>,
      %scan3A_874 = arith.constant 0 : i32
      scf.yield %scan3A_874 : i32
    }
    %scan3A_739 = arith.constant 32 : i32
    "tpu.region"() ({
      %run_scoped3A = tpu.sem_alloc : memref<!tpu.dma_semaphore, #tpu.memory_space<semaphore_mem>>
      %dma_start3A_740 = tpu.memref_slice %arg5[%mul3A_2] : memref<16384xf32, #tpu.memory_space<hbm>> -> memref<512xf32, #tpu.memory_space<hbm>>
      %dma_start3A_741 = tpu.memref_slice %arg5[%mul3A_2] : memref<16384xf32, #tpu.memory_space<hbm>> -> memref<512xf32, #tpu.memory_space<hbm>>
      tpu.enqueue_dma source(%arg9 : memref<512xf32, #tpu.memory_space<vmem>>) target(%dma_start3A_741 : memref<512xf32, #tpu.memory_space<hbm>>) target_semaphore(%run_scoped3A : memref<!tpu.dma_semaphore, #tpu.memory_space<semaphore_mem>>)
      %dma_wait3A_742 = tpu.memref_slice %arg5[%mul3A_2] : memref<16384xf32, #tpu.memory_space<hbm>> -> memref<512xf32, #tpu.memory_space<hbm>>
      %dma_wait3A_743 = tpu.memref_slice %arg5[%mul3A_2] : memref<16384xf32, #tpu.memory_space<hbm>> -> memref<512xf32, #tpu.memory_space<hbm>>
      tpu.wait_dma2 semaphore(%run_scoped3A : memref<!tpu.dma_semaphore, #tpu.memory_space<semaphore_mem>>) src(%arg9 : memref<512xf32, #tpu.memory_space<vmem>>) dst(%dma_wait3A_743 : memref<512xf32, #tpu.memory_space<hbm>>)
      tpu.yield
    }) : () -> ()
    return
  }
}

</mosaic_0001>

<sc_bundles>
// kernel: _sc_call.3.cloned.1.call-start
scs
__scs_entry_jumppad:
0x0: {  	(pc) =	sbr.rel $0x88, $3  }
0x1: {  	(tag) =	ssettag $0x0;
	lr =	simm.s32 $0x1  }
0x2: {  	[smem:$0x3F9E] =	sst lr;
	_ =	strace $0xD0000000  }
0x3: {  	_ = 	snop  }
0x4: {  	_ = 	snop  }
0x5: {  	_ = 	snop  }
0x6: {  	_ = 	snop  }
0x7: {  	_ = 	snop  }
__scs_overlays_trampoline_lowered:
0x8: {  	[smem:$0x3FAD] =	sst s0  }
0x9: {  	[smem:$0x3FAE] =	sst s1  }
0xa: {  	[smem:$0x3FAF] =	sst s2  }
0xb: {  	[smem:$0x3FB0] =	sst s3  }
0xc: {  	[smem:$0x3FB1] =	sst s4  }
0xd: {  	[smem:$0x3FB2] =	sst s5  }
0xe: {  	[smem:$0x3FB3] =	sst s6  }
0xf: {  	[smem:$0x3FB4] =	sst s7  }
0x10: {  	[smem:$0x3FB5] =	sst s8  }
0x11: {  	[smem:$0x3FB6] =	sst s9;
	s0 =	simm.s32 @!p0 $0x0  }
0x12: {  	s1 =	sld [smem:$0x3F9C];
	s0 =	simm.s32 @p0 $0x1  }
0x13: {  	[smem:$0x3FB7] =	sst s0;
	s0 =	simm.s32 @!p1 $0x0  }
0x14: {  	s2 =	sld [smem:$0x3F9B];
	s0 =	simm.s32 @p1 $0x1  }
0x15: {  	[smem:$0x3FB8] =	sst s0;
	s0 =	simm.s32 @!p2 $0x0  }
0x16: {  	s3 =	sld [smem:$0x3FDB];
	s0 =	simm.s32 @p2 $0x1  }
0x17: {  	s4 =	simm.s32 $0x1BF5;
	[smem:$0x3FBA] =	sst s0  }
0x18: {  	s0 =	sld [smem:$0x3F9D];
	_ =	swait.ge [sflag:s4], $0x0  }
0x19: {  	s7 =	sld [smem:$0x3F9E]  }
0x1a: {  	s8 =	sadd.s32 $0xFFFFE003, lr  }
0x1b: {  	s9 =	sadd.s32 $0xFFFFFEF7, lr;
	s5 =	simm.s32 $0xFFFFFFFF;
	p2 =	slt.u32 s8, $0xFFFFF086  }
0x1c: {  	p1 =	slt.u32 s9, $0xF7A;
	s5 =	simm.s32 @!p2 $0x0  }
0x1d: {  	s5 =	simm.s32 @p1 $0x1;
	p0 =	seq.s32 s7, s2  }
0x1e: {  	s7 =	smul.u32 @!p0 $0xF7A, s2;
	p2 =	seq.s32 @!p0 s5, $0x0  }
0x1f: {  	s9 =	smul.u32 $0xF7A, s1;
	s8 =	simm.s32 @!p0 $0x1BF5;
	p2 =	por !p2, p0  }
0x20: {  	[sflag:s8] =	ssyncset.s32 @!p0 $0xFFFFF086;
	s6 =	sadd.s32 @!p0 s3, s7;
	s7 =	simm.s32 @!p0 $0x108  }
0x21: {  	s3 =	sadd.s32 s3, s9;
	s6 =	sadd.s32 @!p0 $0x88, s6;
	s7 =	simm.s32 @p2 $0x1082  }
0x22: {  	[simem:s7], [sflag:s8] =	dma.local @!p0 [hbm:s6], $0xF7A  }
0x23: {  	s9 =	sor.u32 $0xD0000000, s2;
	s6 =	simm.s32 $0x108;
	_ =	swait.ge @!p0 [sflag:s8], $0x0  }
0x24: {  	s3 =	sadd.s32 $0x88, s3;
	s6 =	simm.s32 @!p1 $0x1082;
	[sflag:s4] =	ssyncset.s32 $0xFFFFF086  }
0x25: {  	[simem:s6], [sflag:s4] =	dma.local [hbm:s3], $0xF7A  }
0x26: {  	[smem:$0x3F9E] =	sst s1;
	(tag) =	ssettag s2;
	_ =	strace s9  }
0x27: {  	s1 =	sld [smem:$0x3FAE]  }
0x28: {  	s2 =	sld [smem:$0x3FAF]  }
0x29: {  	s4 =	sld [smem:$0x3FB1]  }
0x2a: {  	p0 =	seq.s32 s5, $0x0;
	s5 =	sld [smem:$0x3FB2]  }
0x2b: {  	s6 =	sld [smem:$0x3FB3]  }
0x2c: {  	s7 =	sld [smem:$0x3FB4]  }
0x2d: {  	s3 =	simm.s32 $0x108;
	s8 =	sld [smem:$0x3FB5]  }
0x2e: {  	s3 =	simm.s32 @!p0 $0x1082;
	s9 =	sld [smem:$0x3FB6]  }
0x2f: {  	lr =	sadd.s32 s0, s3;
	s0 =	sld [smem:$0x3FAD]  }
0x30: {  	s3 =	sld [smem:$0x3FB0]  }
0x31: {  	[smem:$0x3FB9] =	sst s10  }
0x32: {  	s10 =	sld [smem:$0x3FB7];
	_ =	sdelay $0x3  }
0x33: {  	p0 =	seq.s32 s10, $0x1;
	s10 =	sld [smem:$0x3FB9];
	_ =	sdelay $0x3  }
0x34: {  	[smem:$0x3FB9] =	sst s10  }
0x35: {  	s10 =	sld [smem:$0x3FB8];
	_ =	sdelay $0x3  }
0x36: {  	p1 =	seq.s32 s10, $0x1;
	s10 =	sld [smem:$0x3FB9];
	_ =	sdelay $0x3  }
0x37: {  	[smem:$0x3FB9] =	sst s10  }
0x38: {  	s10 =	sld [smem:$0x3FBA]  }
0x39: {  	_ = 	snop;
	(pc) =	sbr.ind lr, $3  }
0x3a: {  	_ = 	snop  }
0x3b: {  	_ = 	snop  }
0x3c: {  	p2 =	seq.s32 s10, $0x1;
	s10 =	sld [smem:$0x3FB9]  }
0x3d: {  	_ =	shalt  }
0x3e: {  	_ =	shalt  }
0x3f: {  	_ =	shalt  }
0x40: {  	_ =	shalt  }
0x41: {  	_ =	shalt  }
0x42: {  	_ =	shalt  }
0x43: {  	_ =	shalt  }
0x44: {  	_ =	shalt  }
0x45: {  	_ =	shalt  }
0x46: {  	_ =	shalt  }
0x47: {  	_ =	shalt  }
0x48: {  	_ =	shalt  }
0x49: {  	_ =	shalt  }
0x4a: {  	_ =	shalt  }
0x4b: {  	_ =	shalt  }
0x4c: {  	_ =	shalt  }
0x4d: {  	_ =	shalt  }
0x4e: {  	_ =	shalt  }
0x4f: {  	_ =	shalt  }
0x50: {  	_ =	shalt  }
0x51: {  	_ =	shalt  }
0x52: {  	_ =	shalt  }
0x53: {  	_ =	shalt  }
0x54: {  	_ =	shalt  }
0x55: {  	_ =	shalt  }
0x56: {  	_ =	shalt  }
0x57: {  	_ =	shalt  }
0x58: {  	_ =	shalt  }
0x59: {  	_ =	shalt  }
0x5a: {  	_ =	shalt  }
0x5b: {  	_ =	shalt  }
0x5c: {  	_ =	shalt  }
0x5d: {  	_ =	shalt  }
0x5e: {  	_ =	shalt  }
0x5f: {  	_ =	shalt  }
0x60: {  	_ =	shalt  }
0x61: {  	_ =	shalt  }
0x62: {  	_ =	shalt  }
0x63: {  	_ =	shalt  }
0x64: {  	_ =	shalt  }
0x65: {  	_ =	shalt  }
0x66: {  	_ =	shalt  }
0x67: {  	_ =	shalt  }
0x68: {  	_ =	shalt  }
0x69: {  	_ =	shalt  }
0x6a: {  	_ =	shalt  }
0x6b: {  	_ =	shalt  }
0x6c: {  	_ =	shalt  }
0x6d: {  	_ =	shalt  }
0x6e: {  	_ =	shalt  }
0x6f: {  	_ =	shalt  }
0x70: {  	_ =	shalt  }
0x71: {  	_ =	shalt  }
0x72: {  	_ =	shalt  }
0x73: {  	_ =	shalt  }
0x74: {  	_ =	shalt  }
0x75: {  	_ =	shalt  }
0x76: {  	_ =	shalt  }
0x77: {  	_ =	shalt  }
0x78: {  	_ =	shalt  }
0x79: {  	_ =	shalt  }
0x7a: {  	_ =	shalt  }
0x7b: {  	_ =	shalt  }
0x7c: {  	_ =	shalt  }
0x7d: {  	_ =	shalt  }
0x7e: {  	_ =	shalt  }
0x7f: {  	_ =	shalt  }
0x80: {  	_ =	shalt  }
0x81: {  	_ =	shalt  }
0x82: {  	_ =	shalt  }
0x83: {  	_ =	shalt  }
0x84: {  	_ =	shalt  }
0x85: {  	_ =	shalt  }
0x86: {  	_ =	shalt  }
0x87: {  	_ =	shalt  }
.Lfunc_end0:
.L_simem_size_0:
called_computation_lowered:
.L_overlay_start_0:
0x88: {  	s2 =	sld [smem:$0x3FD9]  }
0x89: {  	s3 =	sld [smem:$0x3FFE];
	_ =	sdelay $0x1  }
0x8a: {  	s1 =	srdreg.scid  }
0x8b: {  	s0 =	sand.u32 $0x1, s1  }
0x8c: {  	s18 =	sshll.u32 s0, $0xA;
	s2 =	sadd.s32 s3, s2  }
0x8d: {  	s2 =	sadd.s32 s2, s18  }
0x8e: {  	[smem:$0x3FC5] =	sst s2  }
0x8f: {  	_ = 	snop  }
0x90: {  	s2 =	sld [smem:$0x3FC9]  }
0x91: {  	s19 =	sld [smem:$0x3FC8]  }
0x92: {  	s4 =	sld [smem:$0x3FC7]  }
0x93: {  	s5 =	sld [smem:$0x3FD0];
	(tm) =	ssettm $0x1  }
0x94: {  	s6 =	sld [smem:$0x3FFB];
	_ =	sdelay $0x3  }
0x95: {  	_ =	strace s6  }
0x96: {  	s6 =	sld [smem:$0x3FFC];
	_ =	sdelay $0x3  }
0x97: {  	_ =	strace s6  }
0x98: {  	s6 =	sld [smem:$0x3FFD];
	_ =	sdelay $0x3  }
0x99: {  	_ =	strace s6  }
0x9a: {  	_ =	strace $0x8FFFFFFF  }
0x9b: {  	s20 =	sld [smem:$0x3FDB];
	_ =	sdelay $0x1  }
0x9c: {  	s7 =	simm.s32 $_scs_section_size  }
0x9d: {  	s8 =	simm.s32 $_size__tile_overlayer_lowered;
	s9 =	simm.s32 $_tile_overlayer_lowered  }
0x9e: {  	s23 =	simm.s32 $0x1BFF;
	s22 =	sshll.u32 s9, $0x1;
	s6 =	sadd.s32 s7, s20  }
0x9f: {  	s10 =	simm.s32 $0x0;
	s21 =	sshll.u32 s8, $0x1;
	s8 =	sadd.s32 s22, s6  }
0xa0: {  	[timem:s10], [sflag:s23] =	dma.local [hbm:s8], s21  }
0xa1: {  	_ =	swait.ge [sflag:s23], s21  }
0xa2: {  	s7 =	ssub.s32 $0x0, s21;
	[sflag:s23] =	ssyncset.done $0x0  }
0xa3: {  	[sflag:s23] =	ssyncadd.s32 s7;
	_ =	sdelay $0x1  }
0xa4: {  	s24 =	simm.s32 $0x1B8B  }
0xa5: {  	_ =	swait.ge [sflag:s24], $0x1  }
0xa6: {  	[sflag:s24] =	ssyncset.done $0x0  }
0xa7: {  	s25 =	simm.s32 $0x1B8E;
	[sflag:s24] =	ssyncadd.s32 $0xFFFFFFFF  }
0xa8: {  	s26 =	simm.s32 $execute0_lowered;
	[smem:$0x3FD2] =	sst s25  }
0xa9: {  	s7 =	sshll.u32 s26, $0x1;
	_ =	strace $0x80000046;
	[dreg:$0x1] =	wrdreg $0xFFFFFFFF  }
0xaa: {  	s28 =	simm.s32 $_size_execute0_lowered;
	s6 =	sadd.s32 s6, s7;
	[dreg:$0x0] =	wrdreg $0x0  }
0xab: {  	s7 =	sshll.u32 s28, $0x1;
	[dreg:$0x2] =	wrdreg s6  }
0xac: {  	[dreg:$0x3] =	wrdreg s7  }
0xad: {  	[dreg:$0x4] =	wrdreg $0xC0  }
0xae: {  	_ =	task [dreg:s10], $0x5FFFF  }
0xaf: {  	[dreg:$0x1] =	wrdreg $0xFFFFFFFF  }
0xb0: {  	[dreg:$0x0] =	wrdreg $0x60  }
0xb1: {  	[dreg:$0x2] =	wrdreg s2  }
0xb2: {  	[dreg:$0x3] =	wrdreg s19  }
0xb3: {  	[dreg:$0x4] =	wrdreg s4  }
0xb4: {  	[dreg:$0x5] =	wrdreg s5  }
0xb5: {  	[dreg:$0x6] =	wrdreg $0x9  }
0xb6: {  	_ =	task.clear_ibuf [dreg:s10], $0x7FFFF;
	_ =	strace $0x90000046  }
0xb7: {  	s29 =	simm.s32 $0x9;
	_ =	strace $0x80000048  }
0xb8: {  	_ =	swait.ge [sflag:s29], $0x1  }
0xb9: {  	[sflag:s29] =	ssyncadd.s32 $0xFFFFFFFF  }
0xba: {  	_ =	strace $0x90000048  }
0xbb: {  	_ =	sfence  }
0xbc: {  	s30 =	sld [smem:$0x0];
	_ =	sdelay $0x2  }
0xbd: {  	s31 =	sshll.u32 s1, $0xD;
	s1 =	sshrl.u32 s1, $0x2  }
0xbe: {  	s3 =	sand.u32 $0x4000, s31;
	s1 =	sadd.s32 s1, s30  }
0xbf: {  	s0 =	sor.u32 s3, s0;
	s1 =	sshll.u32 s1, $0x11  }
0xc0: {  	s0 =	sor.u32 s1, s0  }
0xc1: {  	s0 =	sadd.s32 $0x8F2B, s0  }
0xc2: {  	[sflag:s0] =	ssyncadd.remote.s32 $0x1  }
0xc3: {  	_ =	sfence.sel $0xFFFF  }
0xc4: {  	[dreg:$0x0] =	wrdreg $0xFFFFFFFF;
	(pc) =	sbr.abs _section_cstart, $3  }
0xc5: {  	[dreg:$0x1] =	wrdreg $0xFFFFFFFF  }
0xc6: {  	_ =	task.clear_ibuf [dreg:s10], $0x2FFFF;
	_ =	strace $0x9FFFFFFF  }
0xc7: {  	(tm) =	ssettm $0x7FFFFFFF  }
tec
execute0_lowered:
.L_overlay_start_1:
0x0: {  	(tag) =	ssettag $0x1  }
0x1: {  	s2 =	srdreg.scid  }
0x2: {  	s0 =	rddreg [dreg:$0x0];
	s5 =	stileid.u32;
	s2 =	sand.u32 $0x1, s2  }
0x3: {  	s5 =	sshll.u32 s5, $0x7;
	s3 =	ssub.s32 $0x2, s2;
	s2 =	sshll.u32 s2, $0x6  }
0x4: {  	s1 =	rddreg [dreg:$0x3];
	s4 =	simm.s32 $0x0;
	s2 =	sor.u32 s2, s5  }
0x5: {  	[smem:$0x7FF] =	sst s4;
	s21 =	sadd.s32 s1, s2  }
0x6: {  	_ =	strace $0x80000047;
	s5 =	sadd.s32 s0, s2;
	[dreg:$0x9] =	wrdreg s21  }
0x7: {  	s0 =	sadd.s32 $0x800, s5;
	[smem:$0x7FD] =	sst s5  }
0x8: {  	s6 =	sshrl.u32 s3, $0x1;
	s31 =	sadd.s32 $0x1000, s5;
	[dreg:$0x5] =	wrdreg s0  }
0x9: {  	s3 =	ssub.s32 s3, s6;
	s6 =	sadd.s32 $0x1800, s5;
	[dreg:$0x6] =	wrdreg s31  }
0xa: {  	s7 =	sadd.s32 $0x2000, s5;
	[dreg:$0x7] =	wrdreg s6  }
0xb: {  	s8 =	sadd.s32 $0x2800, s5;
	[dreg:$0x8] =	wrdreg s7  }
0xc: {  	s9 =	sadd.s32 $0x3000, s5;
	[dreg:$0xb] =	wrdreg s8  }
0xd: {  	s10 =	sadd.s32 $0x3800, s5;
	[dreg:$0xc] =	wrdreg s9  }
0xe: {  	s11 =	sadd.s32 $0x4000, s5;
	[dreg:$0xd] =	wrdreg s10  }
0xf: {  	s12 =	sadd.s32 $0x4800, s5;
	[dreg:$0xe] =	wrdreg s11  }
0x10: {  	s13 =	sadd.s32 $0x5000, s5;
	[dreg:$0xf] =	wrdreg s12  }
0x11: {  	s14 =	sadd.s32 $0x5800, s5;
	[dreg:$0x10] =	wrdreg s13  }
0x12: {  	s15 =	sadd.s32 $0x6000, s5;
	[dreg:$0x11] =	wrdreg s14  }
0x13: {  	s16 =	sadd.s32 $0x6800, s5;
	[dreg:$0x12] =	wrdreg s15  }
0x14: {  	s17 =	sadd.s32 $0x7000, s5;
	[dreg:$0x13] =	wrdreg s16  }
0x15: {  	s18 =	sadd.s32 $0x7800, s5;
	[dreg:$0x14] =	wrdreg s17  }
0x16: {  	s19 =	sadd.s32 $0x8000, s5;
	[dreg:$0x15] =	wrdreg s18  }
0x17: {  	s20 =	sadd.s32 $0x8800, s5;
	[dreg:$0x16] =	wrdreg s19  }
0x18: {  	s22 =	sadd.s32 $0x9000, s5;
	[dreg:$0x17] =	wrdreg s20  }
0x19: {  	s23 =	smax.u32 s3, $0x1;
	[dreg:$0x18] =	wrdreg s22  }
0x1a: {  	s24 =	sadd.s32 $0x9800, s5;
	[dreg:$0xa] =	wrdreg s23  }
0x1b: {  	s25 =	sadd.s32 $0xA000, s5;
	[dreg:$0x19] =	wrdreg s24  }
0x1c: {  	s26 =	sadd.s32 $0xA800, s5;
	[dreg:$0x1a] =	wrdreg s25  }
0x1d: {  	s28 =	sadd.s32 $0xB000, s5;
	[dreg:$0x1b] =	wrdreg s26  }
0x1e: {  	s29 =	sadd.s32 $0xB800, s5;
	[dreg:$0x1c] =	wrdreg s28  }
0x1f: {  	s30 =	sadd.s32 $0xC000, s5;
	[dreg:$0x1d] =	wrdreg s29  }
0x20: {  	[dreg:$0x1e] =	wrdreg s30;
	s31 =	sadd.s32 $0xC800, s5  }
0x21: {  	s2 =	simm.s32 $0x0;
	s23 =	simm.s32 $0x1;
	[dreg:$0x1f] =	wrdreg s31  }
.LBB2_1:
0x22: {  	s25 =	sld [smem:$0x7FD];
	_ =	sdelay $0x2  }
0x23: {  	[tilespmem:s4], [sflag:$0x1] =	stream.linear.gather [hbm4b:s25+s4], $0x200, $0x38;
	[tilespmem:$0x6A80] =	vst v63  }
0x24: {  	_ = 	snop  }
0x25: {  	[tilespmem:s4], [sflag:$0x1] =	stream.linear.gather [hbm4b:s25+s4], $0x200, $0x38;
	[tilespmem:$0x6A80] =	vst v63  }
0x26: {  	s6 =	rddreg [dreg:$0x5];
	s0 =	simm.s32 $0x200  }
0x27: {  	[tilespmem:s0], [sflag:$0x1] =	stream.linear.gather [hbm4b:s6+s4], $0x200, $0x38;
	[tilespmem:$0x6A80] =	vst v63  }
0x28: {  	_ = 	snop  }
0x29: {  	[tilespmem:s0], [sflag:$0x1] =	stream.linear.gather [hbm4b:s6+s4], $0x200, $0x38;
	[tilespmem:$0x6A80] =	vst v63  }
0x2a: {  	s7 =	rddreg [dreg:$0x6];
	s11 =	simm.s32 $0x400  }
0x2b: {  	[tilespmem:s11], [sflag:$0x1] =	stream.linear.gather [hbm4b:s7+s4], $0x200, $0x38;
	[tilespmem:$0x6A80] =	vst v63  }
0x2c: {  	_ = 	snop  }
0x2d: {  	[tilespmem:s11], [sflag:$0x1] =	stream.linear.gather [hbm4b:s7+s4], $0x200, $0x38;
	[tilespmem:$0x6A80] =	vst v63  }
0x2e: {  	s8 =	rddreg [dreg:$0x7];
	s12 =	simm.s32 $0x600  }
0x2f: {  	[tilespmem:s12], [sflag:$0x1] =	stream.linear.gather [hbm4b:s8+s4], $0x200, $0x38;
	[tilespmem:$0x6A80] =	vst v63  }
0x30: {  	_ = 	snop  }
0x31: {  	[tilespmem:s12], [sflag:$0x1] =	stream.linear.gather [hbm4b:s8+s4], $0x200, $0x38;
	[tilespmem:$0x6A80] =	vst v63  }
0x32: {  	s9 =	rddreg [dreg:$0x8];
	s13 =	simm.s32 $0x800  }
0x33: {  	[tilespmem:s13], [sflag:$0x1] =	stream.linear.gather [hbm4b:s9+s4], $0x200, $0x38;
	[tilespmem:$0x6A80] =	vst v63  }
0x34: {  	_ = 	snop  }
0x35: {  	[tilespmem:s13], [sflag:$0x1] =	stream.linear.gather [hbm4b:s9+s4], $0x200, $0x38;
	[tilespmem:$0x6A80] =	vst v63  }
0x36: {  	s14 =	simm.s32 $0xA00;
	s11 =	rddreg [dreg:$0xb]  }
0x37: {  	[tilespmem:s14], [sflag:$0x1] =	stream.linear.gather [hbm4b:s11+s4], $0x200, $0x38;
	[tilespmem:$0x6A80] =	vst v63  }
0x38: {  	_ = 	snop  }
0x39: {  	[tilespmem:s14], [sflag:$0x1] =	stream.linear.gather [hbm4b:s11+s4], $0x200, $0x38;
	[tilespmem:$0x6A80] =	vst v63  }
0x3a: {  	s15 =	simm.s32 $0xC00;
	s12 =	rddreg [dreg:$0xc]  }
0x3b: {  	[tilespmem:s15], [sflag:$0x1] =	stream.linear.gather [hbm4b:s12+s4], $0x200, $0x38;
	[tilespmem:$0x6A80] =	vst v63  }
0x3c: {  	_ = 	snop  }
0x3d: {  	[tilespmem:s15], [sflag:$0x1] =	stream.linear.gather [hbm4b:s12+s4], $0x200, $0x38;
	[tilespmem:$0x6A80] =	vst v63  }
0x3e: {  	s16 =	simm.s32 $0xE00;
	s13 =	rddreg [dreg:$0xd]  }
0x3f: {  	[tilespmem:s16], [sflag:$0x1] =	stream.linear.gather [hbm4b:s13+s4], $0x200, $0x38;
	[tilespmem:$0x6A80] =	vst v63  }
0x40: {  	_ = 	snop  }
0x41: {  	[tilespmem:s16], [sflag:$0x1] =	stream.linear.gather [hbm4b:s13+s4], $0x200, $0x38;
	[tilespmem:$0x6A80] =	vst v63  }
0x42: {  	s17 =	simm.s32 $0x1000;
	s14 =	rddreg [dreg:$0xe]  }
0x43: {  	[tilespmem:s17], [sflag:$0x1] =	stream.linear.gather [hbm4b:s14+s4], $0x200, $0x38;
	[tilespmem:$0x6A80] =	vst v63  }
0x44: {  	_ = 	snop  }
0x45: {  	[tilespmem:s17], [sflag:$0x1] =	stream.linear.gather [hbm4b:s14+s4], $0x200, $0x38;
	[tilespmem:$0x6A80] =	vst v63  }
0x46: {  	s18 =	simm.s32 $0x1200;
	s15 =	rddreg [dreg:$0xf]  }
0x47: {  	[tilespmem:s18], [sflag:$0x1] =	stream.linear.gather [hbm4b:s15+s4], $0x200, $0x38;
	[tilespmem:$0x6A80] =	vst v63  }
0x48: {  	_ = 	snop  }
0x49: {  	[tilespmem:s18], [sflag:$0x1] =	stream.linear.gather [hbm4b:s15+s4], $0x200, $0x38;
	[tilespmem:$0x6A80] =	vst v63  }
0x4a: {  	s19 =	simm.s32 $0x1400;
	s16 =	rddreg [dreg:$0x10]  }
0x4b: {  	[tilespmem:s19], [sflag:$0x1] =	stream.linear.gather [hbm4b:s16+s4], $0x200, $0x38;
	[tilespmem:$0x6A80] =	vst v63  }
0x4c: {  	_ = 	snop  }
0x4d: {  	[tilespmem:s19], [sflag:$0x1] =	stream.linear.gather [hbm4b:s16+s4], $0x200, $0x38;
	[tilespmem:$0x6A80] =	vst v63  }
0x4e: {  	s20 =	simm.s32 $0x1600;
	s17 =	rddreg [dreg:$0x11]  }
0x4f: {  	[tilespmem:s20], [sflag:$0x1] =	stream.linear.gather [hbm4b:s17+s4], $0x200, $0x38;
	[tilespmem:$0x6A80] =	vst v63  }
0x50: {  	_ = 	snop  }
0x51: {  	[tilespmem:s20], [sflag:$0x1] =	stream.linear.gather [hbm4b:s17+s4], $0x200, $0x38;
	[tilespmem:$0x6A80] =	vst v63  }
0x52: {  	s21 =	simm.s32 $0x1800;
	s18 =	rddreg [dreg:$0x12]  }
0x53: {  	[tilespmem:s21], [sflag:$0x1] =	stream.linear.gather [hbm4b:s18+s4], $0x200, $0x38;
	[tilespmem:$0x6A80] =	vst v63  }
0x54: {  	_ = 	snop  }
0x55: {  	[tilespmem:s21], [sflag:$0x1] =	stream.linear.gather [hbm4b:s18+s4], $0x200, $0x38;
	[tilespmem:$0x6A80] =	vst v63  }
0x56: {  	s22 =	simm.s32 $0x1A00;
	s19 =	rddreg [dreg:$0x13]  }
0x57: {  	[tilespmem:s22], [sflag:$0x1] =	stream.linear.gather [hbm4b:s19+s4], $0x200, $0x38;
	[tilespmem:$0x6A80] =	vst v63  }
0x58: {  	_ = 	snop  }
0x59: {  	[tilespmem:s22], [sflag:$0x1] =	stream.linear.gather [hbm4b:s19+s4], $0x200, $0x38;
	[tilespmem:$0x6A80] =	vst v63  }
0x5a: {  	s24 =	simm.s32 $0x1C00;
	s20 =	rddreg [dreg:$0x14]  }
0x5b: {  	[tilespmem:s24], [sflag:$0x1] =	stream.linear.gather [hbm4b:s20+s4], $0x200, $0x38;
	[tilespmem:$0x6A80] =	vst v63  }
0x5c: {  	_ = 	snop  }
0x5d: {  	[tilespmem:s24], [sflag:$0x1] =	stream.linear.gather [hbm4b:s20+s4], $0x200, $0x38;
	[tilespmem:$0x6A80] =	vst v63  }
0x5e: {  	s26 =	simm.s32 $0x1E00;
	s21 =	rddreg [dreg:$0x15]  }
0x5f: {  	[tilespmem:s26], [sflag:$0x1] =	stream.linear.gather [hbm4b:s21+s4], $0x200, $0x38;
	[tilespmem:$0x6A80] =	vst v63  }
0x60: {  	_ = 	snop  }
0x61: {  	[tilespmem:s26], [sflag:$0x1] =	stream.linear.gather [hbm4b:s21+s4], $0x200, $0x38;
	[tilespmem:$0x6A80] =	vst v63  }
0x62: {  	s28 =	simm.s32 $0x2000;
	s22 =	rddreg [dreg:$0x16]  }
0x63: {  	[tilespmem:s28], [sflag:$0x1] =	stream.linear.gather [hbm4b:s22+s4], $0x200, $0x38;
	[tilespmem:$0x6A80] =	vst v63  }
0x64: {  	_ = 	snop  }
0x65: {  	[tilespmem:s28], [sflag:$0x1] =	stream.linear.gather [hbm4b:s22+s4], $0x200, $0x38;
	[tilespmem:$0x6A80] =	vst v63  }
0x66: {  	s29 =	simm.s32 $0x2200;
	s24 =	rddreg [dreg:$0x17]  }
0x67: {  	[tilespmem:s29], [sflag:$0x1] =	stream.linear.gather [hbm4b:s24+s4], $0x200, $0x38;
	[tilespmem:$0x6A80] =	vst v63  }
0x68: {  	_ = 	snop  }
0x69: {  	[tilespmem:s29], [sflag:$0x1] =	stream.linear.gather [hbm4b:s24+s4], $0x200, $0x38;
	[tilespmem:$0x6A80] =	vst v63  }
0x6a: {  	s30 =	simm.s32 $0x2400;
	s26 =	rddreg [dreg:$0x18]  }
0x6b: {  	[tilespmem:s30], [sflag:$0x1] =	stream.linear.gather [hbm4b:s26+s4], $0x200, $0x38;
	[tilespmem:$0x6A80] =	vst v63  }
0x6c: {  	_ = 	snop  }
0x6d: {  	[tilespmem:s30], [sflag:$0x1] =	stream.linear.gather [hbm4b:s26+s4], $0x200, $0x38;
	[tilespmem:$0x6A80] =	vst v63  }
0x6e: {  	s31 =	simm.s32 $0x2600;
	s28 =	rddreg [dreg:$0x19]  }
0x6f: {  	[tilespmem:s31], [sflag:$0x1] =	stream.linear.gather [hbm4b:s28+s4], $0x200, $0x38;
	[tilespmem:$0x6A80] =	vst v63  }
0x70: {  	_ = 	snop  }
0x71: {  	[tilespmem:s31], [sflag:$0x1] =	stream.linear.gather [hbm4b:s28+s4], $0x200, $0x38;
	[tilespmem:$0x6A80] =	vst v63  }
0x72: {  	s1 =	simm.s32 $0x2800;
	s29 =	rddreg [dreg:$0x1a]  }
0x73: {  	[tilespmem:s1], [sflag:$0x1] =	stream.linear.gather [hbm4b:s29+s4], $0x200, $0x38;
	[tilespmem:$0x6A80] =	vst v63  }
0x74: {  	[smem:$0x7FC] =	sst s2  }
0x75: {  	[tilespmem:s1], [sflag:$0x1] =	stream.linear.gather [hbm4b:s29+s4], $0x200, $0x38;
	[tilespmem:$0x6A80] =	vst v63  }
0x76: {  	s2 =	simm.s32 $0x2A00;
	s30 =	rddreg [dreg:$0x1b]  }
0x77: {  	[tilespmem:s2], [sflag:$0x1] =	stream.linear.gather [hbm4b:s30+s4], $0x200, $0x38;
	[tilespmem:$0x6A80] =	vst v63  }
0x78: {  	_ = 	snop  }
0x79: {  	[tilespmem:s2], [sflag:$0x1] =	stream.linear.gather [hbm4b:s30+s4], $0x200, $0x38;
	[tilespmem:$0x6A80] =	vst v63  }
0x7a: {  	s3 =	simm.s32 $0x2C00;
	s31 =	rddreg [dreg:$0x1c]  }
0x7b: {  	[tilespmem:s3], [sflag:$0x1] =	stream.linear.gather [hbm4b:s31+s4], $0x200, $0x38;
	[tilespmem:$0x6A80] =	vst v63  }
0x7c: {  	_ = 	snop  }
0x7d: {  	[tilespmem:s3], [sflag:$0x1] =	stream.linear.gather [hbm4b:s31+s4], $0x200, $0x38;
	[tilespmem:$0x6A80] =	vst v63  }
0x7e: {  	s1 =	simm.s32 $0x2E00;
	s2 =	rddreg [dreg:$0x1d]  }
0x7f: {  	[tilespmem:s1], [sflag:$0x1] =	stream.linear.gather [hbm4b:s2+s4], $0x200, $0x38;
	[tilespmem:$0x6A80] =	vst v63  }
0x80: {  	_ = 	snop  }
0x81: {  	[tilespmem:s1], [sflag:$0x1] =	stream.linear.gather [hbm4b:s2+s4], $0x200, $0x38;
	[tilespmem:$0x6A80] =	vst v63  }
0x82: {  	s5 =	simm.s32 $0x3000;
	s3 =	rddreg [dreg:$0x1e]  }
0x83: {  	[tilespmem:s5], [sflag:$0x1] =	stream.linear.gather [hbm4b:s3+s4], $0x200, $0x38;
	[tilespmem:$0x6A80] =	vst v63  }
0x84: {  	_ = 	snop  }
0x85: {  	[tilespmem:s5], [sflag:$0x1] =	stream.linear.gather [hbm4b:s3+s4], $0x200, $0x38;
	[tilespmem:$0x6A80] =	vst v63  }
0x86: {  	s10 =	simm.s32 $0x3200;
	s5 =	rddreg [dreg:$0x1f]  }
0x87: {  	[tilespmem:s10], [sflag:$0x1] =	stream.linear.gather [hbm4b:s5+s4], $0x200, $0x38;
	[tilespmem:$0x6A80] =	vst v63  }
0x88: {  	_ = 	snop  }
0x89: {  	[tilespmem:s10], [sflag:$0x1] =	stream.linear.gather [hbm4b:s5+s4], $0x200, $0x38;
	[tilespmem:$0x6A80] =	vst v63  }
0x8a: {  	s0 =	simm.s32 $0x2;
	s1 =	rddreg [dreg:$0x2];
	s10 =	simm.s32 $0x6800  }
0x8b: {  	[tilespmem:s10], [sflag:$0x2] =	stream.linear.gather [hbm4b:s1+s4], $0x80, $0x38;
	[tilespmem:$0x6A80] =	vst v63  }
0x8c: {  	_ =	swait.ge [sflag:s0], $0x80  }
0x8d: {  	[sflag:s0] =	ssyncset.done $0x0  }
0x8e: {  	[sflag:s0] =	ssyncadd.s32 $0xFFFFFF80  }
0x8f: {  	[tilespmem:s4], [sflag:$0x1] =	stream.linear.gather [hbm4b:s25+s4], $0x200, $0x38;
	[tilespmem:$0x6A80] =	vst v63  }
0x90: {  	_ =	swait.ge [sflag:s23], $0x200  }
0x91: {  	[sflag:s23] =	ssyncset.done $0x0  }
0x92: {  	s1 =	simm.s32 $0x200;
	[sflag:s23] =	ssyncadd.s32 $0xFFFFFE00  }
0x93: {  	[tilespmem:s1], [sflag:$0x1] =	stream.linear.gather [hbm4b:s6+s4], $0x200, $0x38;
	[tilespmem:$0x6A80] =	vst v63  }
0x94: {  	_ =	swait.ge [sflag:s23], $0x200  }
0x95: {  	[sflag:s23] =	ssyncset.done $0x0  }
0x96: {  	s6 =	simm.s32 $0x400;
	[sflag:s23] =	ssyncadd.s32 $0xFFFFFE00  }
0x97: {  	[tilespmem:s6], [sflag:$0x1] =	stream.linear.gather [hbm4b:s7+s4], $0x200, $0x38;
	[tilespmem:$0x6A80] =	vst v63  }
0x98: {  	_ =	swait.ge [sflag:s23], $0x200  }
0x99: {  	[sflag:s23] =	ssyncset.done $0x0  }
0x9a: {  	s7 =	simm.s32 $0x600;
	[sflag:s23] =	ssyncadd.s32 $0xFFFFFE00  }
0x9b: {  	[tilespmem:s7], [sflag:$0x1] =	stream.linear.gather [hbm4b:s8+s4], $0x200, $0x38;
	[tilespmem:$0x6A80] =	vst v63  }
0x9c: {  	_ =	swait.ge [sflag:s23], $0x200  }
0x9d: {  	[sflag:s23] =	ssyncset.done $0x0  }
0x9e: {  	s25 =	simm.s32 $0x800;
	[sflag:s23] =	ssyncadd.s32 $0xFFFFFE00  }
0x9f: {  	[tilespmem:s25], [sflag:$0x1] =	stream.linear.gather [hbm4b:s9+s4], $0x200, $0x38;
	[tilespmem:$0x6A80] =	vst v63  }
0xa0: {  	_ =	swait.ge [sflag:s23], $0x200  }
0xa1: {  	[sflag:s23] =	ssyncset.done $0x0  }
0xa2: {  	s1 =	simm.s32 $0xA00;
	[sflag:s23] =	ssyncadd.s32 $0xFFFFFE00  }
0xa3: {  	[tilespmem:s1], [sflag:$0x1] =	stream.linear.gather [hbm4b:s11+s4], $0x200, $0x38;
	[tilespmem:$0x6A80] =	vst v63  }
0xa4: {  	_ =	swait.ge [sflag:s23], $0x200  }
0xa5: {  	[sflag:s23] =	ssyncset.done $0x0  }
0xa6: {  	s6 =	simm.s32 $0xC00;
	[sflag:s23] =	ssyncadd.s32 $0xFFFFFE00  }
0xa7: {  	[tilespmem:s6], [sflag:$0x1] =	stream.linear.gather [hbm4b:s12+s4], $0x200, $0x38;
	[tilespmem:$0x6A80] =	vst v63  }
0xa8: {  	_ =	swait.ge [sflag:s23], $0x200  }
0xa9: {  	[sflag:s23] =	ssyncset.done $0x0  }
0xaa: {  	s7 =	simm.s32 $0xE00;
	[sflag:s23] =	ssyncadd.s32 $0xFFFFFE00  }
0xab: {  	[tilespmem:s7], [sflag:$0x1] =	stream.linear.gather [hbm4b:s13+s4], $0x200, $0x38;
	[tilespmem:$0x6A80] =	vst v63  }
0xac: {  	_ =	swait.ge [sflag:s23], $0x200  }
0xad: {  	[sflag:s23] =	ssyncset.done $0x0  }
0xae: {  	s8 =	simm.s32 $0x1000;
	[sflag:s23] =	ssyncadd.s32 $0xFFFFFE00  }
0xaf: {  	[tilespmem:s8], [sflag:$0x1] =	stream.linear.gather [hbm4b:s14+s4], $0x200, $0x38;
	[tilespmem:$0x6A80] =	vst v63  }
0xb0: {  	_ =	swait.ge [sflag:s23], $0x200  }
0xb1: {  	[sflag:s23] =	ssyncset.done $0x0  }
0xb2: {  	s9 =	simm.s32 $0x1200;
	[sflag:s23] =	ssyncadd.s32 $0xFFFFFE00  }
0xb3: {  	[tilespmem:s9], [sflag:$0x1] =	stream.linear.gather [hbm4b:s15+s4], $0x200, $0x38;
	[tilespmem:$0x6A80] =	vst v63  }
0xb4: {  	_ =	swait.ge [sflag:s23], $0x200  }
0xb5: {  	[sflag:s23] =	ssyncset.done $0x0  }
0xb6: {  	s11 =	simm.s32 $0x1400;
	[sflag:s23] =	ssyncadd.s32 $0xFFFFFE00  }
0xb7: {  	[tilespmem:s11], [sflag:$0x1] =	stream.linear.gather [hbm4b:s16+s4], $0x200, $0x38;
	[tilespmem:$0x6A80] =	vst v63  }
0xb8: {  	_ =	swait.ge [sflag:s23], $0x200  }
0xb9: {  	[sflag:s23] =	ssyncset.done $0x0  }
0xba: {  	s12 =	simm.s32 $0x1600;
	[sflag:s23] =	ssyncadd.s32 $0xFFFFFE00  }
0xbb: {  	[tilespmem:s12], [sflag:$0x1] =	stream.linear.gather [hbm4b:s17+s4], $0x200, $0x38;
	[tilespmem:$0x6A80] =	vst v63  }
0xbc: {  	_ =	swait.ge [sflag:s23], $0x200  }
0xbd: {  	[sflag:s23] =	ssyncset.done $0x0  }
0xbe: {  	s13 =	simm.s32 $0x1800;
	[sflag:s23] =	ssyncadd.s32 $0xFFFFFE00  }
0xbf: {  	[tilespmem:s13], [sflag:$0x1] =	stream.linear.gather [hbm4b:s18+s4], $0x200, $0x38;
	[tilespmem:$0x6A80] =	vst v63  }
0xc0: {  	_ =	swait.ge [sflag:s23], $0x200  }
0xc1: {  	[sflag:s23] =	ssyncset.done $0x0  }
0xc2: {  	s14 =	simm.s32 $0x1A00;
	[sflag:s23] =	ssyncadd.s32 $0xFFFFFE00  }
0xc3: {  	[tilespmem:s14], [sflag:$0x1] =	stream.linear.gather [hbm4b:s19+s4], $0x200, $0x38;
	[tilespmem:$0x6A80] =	vst v63  }
0xc4: {  	_ =	swait.ge [sflag:s23], $0x200  }
0xc5: {  	[sflag:s23] =	ssyncset.done $0x0  }
0xc6: {  	s15 =	simm.s32 $0x1C00;
	[sflag:s23] =	ssyncadd.s32 $0xFFFFFE00  }
0xc7: {  	[tilespmem:s15], [sflag:$0x1] =	stream.linear.gather [hbm4b:s20+s4], $0x200, $0x38;
	[tilespmem:$0x6A80] =	vst v63  }
0xc8: {  	_ =	swait.ge [sflag:s23], $0x200  }
0xc9: {  	[sflag:s23] =	ssyncset.done $0x0  }
0xca: {  	s16 =	simm.s32 $0x1E00;
	[sflag:s23] =	ssyncadd.s32 $0xFFFFFE00  }
0xcb: {  	[tilespmem:s16], [sflag:$0x1] =	stream.linear.gather [hbm4b:s21+s4], $0x200, $0x38;
	[tilespmem:$0x6A80] =	vst v63  }
0xcc: {  	_ =	swait.ge [sflag:s23], $0x200  }
0xcd: {  	[sflag:s23] =	ssyncset.done $0x0  }
0xce: {  	s17 =	simm.s32 $0x2000;
	[sflag:s23] =	ssyncadd.s32 $0xFFFFFE00  }
0xcf: {  	[tilespmem:s17], [sflag:$0x1] =	stream.linear.gather [hbm4b:s22+s4], $0x200, $0x38;
	[tilespmem:$0x6A80] =	vst v63  }
0xd0: {  	_ =	swait.ge [sflag:s23], $0x200  }
0xd1: {  	[sflag:s23] =	ssyncset.done $0x0  }
0xd2: {  	s18 =	simm.s32 $0x2200;
	[sflag:s23] =	ssyncadd.s32 $0xFFFFFE00  }
0xd3: {  	[tilespmem:s18], [sflag:$0x1] =	stream.linear.gather [hbm4b:s24+s4], $0x200, $0x38;
	[tilespmem:$0x6A80] =	vst v63  }
0xd4: {  	_ =	swait.ge [sflag:s23], $0x200  }
0xd5: {  	[sflag:s23] =	ssyncset.done $0x0  }
0xd6: {  	s19 =	simm.s32 $0x2400;
	[sflag:s23] =	ssyncadd.s32 $0xFFFFFE00  }
0xd7: {  	[tilespmem:s19], [sflag:$0x1] =	stream.linear.gather [hbm4b:s26+s4], $0x200, $0x38;
	[tilespmem:$0x6A80] =	vst v63  }
0xd8: {  	_ =	swait.ge [sflag:s23], $0x200  }
0xd9: {  	[sflag:s23] =	ssyncset.done $0x0  }
0xda: {  	s20 =	simm.s32 $0x2600;
	[sflag:s23] =	ssyncadd.s32 $0xFFFFFE00  }
0xdb: {  	[tilespmem:s20], [sflag:$0x1] =	stream.linear.gather [hbm4b:s28+s4], $0x200, $0x38;
	[tilespmem:$0x6A80] =	vst v63  }
0xdc: {  	_ =	swait.ge [sflag:s23], $0x200  }
0xdd: {  	[sflag:s23] =	ssyncset.done $0x0  }
0xde: {  	s21 =	simm.s32 $0x2800;
	[sflag:s23] =	ssyncadd.s32 $0xFFFFFE00  }
0xdf: {  	[tilespmem:s21], [sflag:$0x1] =	stream.linear.gather [hbm4b:s29+s4], $0x200, $0x38;
	[tilespmem:$0x6A80] =	vst v63  }
0xe0: {  	_ =	swait.ge [sflag:s23], $0x200  }
0xe1: {  	[sflag:s23] =	ssyncset.done $0x0  }
0xe2: {  	s22 =	simm.s32 $0x2A00;
	[sflag:s23] =	ssyncadd.s32 $0xFFFFFE00  }
0xe3: {  	[tilespmem:s22], [sflag:$0x1] =	stream.linear.gather [hbm4b:s30+s4], $0x200, $0x38;
	[tilespmem:$0x6A80] =	vst v63  }
0xe4: {  	_ =	swait.ge [sflag:s23], $0x200  }
0xe5: {  	[sflag:s23] =	ssyncset.done $0x0  }
0xe6: {  	s24 =	simm.s32 $0x2C00;
	[sflag:s23] =	ssyncadd.s32 $0xFFFFFE00  }
0xe7: {  	[tilespmem:s24], [sflag:$0x1] =	stream.linear.gather [hbm4b:s31+s4], $0x200, $0x38;
	[tilespmem:$0x6A80] =	vst v63  }
0xe8: {  	_ =	swait.ge [sflag:s23], $0x200  }
0xe9: {  	[sflag:s23] =	ssyncset.done $0x0  }
0xea: {  	s25 =	simm.s32 $0x2E00;
	[sflag:s23] =	ssyncadd.s32 $0xFFFFFE00  }
0xeb: {  	[tilespmem:s25], [sflag:$0x1] =	stream.linear.gather [hbm4b:s2+s4], $0x200, $0x38;
	[tilespmem:$0x6A80] =	vst v63  }
0xec: {  	_ =	swait.ge [sflag:s23], $0x200  }
0xed: {  	[sflag:s23] =	ssyncset.done $0x0  }
0xee: {  	s26 =	simm.s32 $0x3000;
	[sflag:s23] =	ssyncadd.s32 $0xFFFFFE00  }
0xef: {  	[tilespmem:s26], [sflag:$0x1] =	stream.linear.gather [hbm4b:s3+s4], $0x200, $0x38;
	[tilespmem:$0x6A80] =	vst v63  }
0xf0: {  	_ =	swait.ge [sflag:s23], $0x200  }
0xf1: {  	[sflag:s23] =	ssyncset.done $0x0  }
0xf2: {  	s28 =	simm.s32 $0x3200;
	[sflag:s23] =	ssyncadd.s32 $0xFFFFFE00  }
0xf3: {  	[tilespmem:s28], [sflag:$0x1] =	stream.linear.gather [hbm4b:s5+s4], $0x200, $0x38;
	[tilespmem:$0x6A80] =	vst v63  }
0xf4: {  	_ =	swait.ge [sflag:s23], $0x200  }
0xf5: {  	[sflag:s23] =	ssyncset.done $0x0  }
0xf6: {  	[sflag:s23] =	ssyncadd.s32 $0xFFFFFE00  }
0xf7: {  	s29 =	simm.s32 $0x3400;
	s30 =	rddreg [dreg:$0x1]  }
0xf8: {  	[tilespmem:s29], [sflag:$0x1] =	stream.indirect.gather [hbm4b:s30+s29], $0x1, s4, s29, $0xb8;
	[tilespmem:$0x6A80] =	vst v63  }
0xf9: {  	_ =	swait.ge [sflag:s23], $0x3400  }
0xfa: {  	[sflag:s23] =	ssyncset.done $0x0  }
0xfb: {  	s10 =	simm.s32 $0x6800;
	[sflag:s23] =	ssyncadd.s32 $0xFFFFCC00  }
0xfc: {  	v0 =	vld.msk [tilespmem:s10+$0x0], $0xffff  }
0xfd: {  	v1 =	vld [tilespmem:s29+$0x0]  }
0xfe: {  	s31 =	sand.u32 $0x1F0, s4  }
0xff: {  	v2 =	vld [tilespmem:s31+$0x3600];
	_ =	sdelay $0x1  }
0x100: {  	v3 =	vld [tilespmem:s31+$0x3800]  }
0x101: {  	v1 =	vadd.f32 v1, v0  }
0x102: {  	v4 =	vld [tilespmem:s31+$0x3A00]  }
0x103: {  	v1 =	vadd.f32 v2, v1  }
0x104: {  	v2 =	vld [tilespmem:s31+$0x3C00]  }
0x105: {  	v1 =	vadd.f32 v3, v1  }
0x106: {  	v3 =	vld [tilespmem:s31+$0x3E00]  }
0x107: {  	v1 =	vadd.f32 v4, v1  }
0x108: {  	v57 =	vld [tilespmem:s31+$0x4000]  }
0x109: {  	v1 =	vadd.f32 v2, v1  }
0x10a: {  	v2 =	vld [tilespmem:s31+$0x4200]  }
0x10b: {  	v1 =	vadd.f32 v3, v1  }
0x10c: {  	v3 =	vld [tilespmem:s31+$0x4400]  }
0x10d: {  	v1 =	vadd.f32 v57, v1  }
0x10e: {  	v58 =	vld [tilespmem:s31+$0x4600]  }
0x10f: {  	v1 =	vadd.f32 v2, v1  }
0x110: {  	v2 =	vld [tilespmem:s31+$0x4800]  }
0x111: {  	v1 =	vadd.f32 v3, v1  }
0x112: {  	v3 =	vld [tilespmem:s31+$0x4A00]  }
0x113: {  	v1 =	vadd.f32 v58, v1  }
0x114: {  	v59 =	vld [tilespmem:s31+$0x4C00]  }
0x115: {  	v1 =	vadd.f32 v2, v1  }
0x116: {  	v2 =	vld [tilespmem:s31+$0x4E00]  }
0x117: {  	v1 =	vadd.f32 v3, v1  }
0x118: {  	v3 =	vld [tilespmem:s31+$0x5000]  }
0x119: {  	v1 =	vadd.f32 v59, v1  }
0x11a: {  	v60 =	vld [tilespmem:s31+$0x5200]  }
0x11b: {  	v1 =	vadd.f32 v2, v1  }
0x11c: {  	v2 =	vld [tilespmem:s31+$0x5400]  }
0x11d: {  	v1 =	vadd.f32 v3, v1  }
0x11e: {  	v3 =	vld [tilespmem:s31+$0x5600]  }
0x11f: {  	v1 =	vadd.f32 v60, v1  }
0x120: {  	v61 =	vld [tilespmem:s31+$0x5800]  }
0x121: {  	v1 =	vadd.f32 v2, v1  }
0x122: {  	v2 =	vld [tilespmem:s31+$0x5A00]  }
0x123: {  	v1 =	vadd.f32 v3, v1  }
0x124: {  	v3 =	vld [tilespmem:s31+$0x5C00]  }
0x125: {  	v1 =	vadd.f32 v61, v1  }
0x126: {  	v62 =	vld [tilespmem:s31+$0x5E00]  }
0x127: {  	v1 =	vadd.f32 v2, v1  }
0x128: {  	v2 =	vld [tilespmem:s31+$0x6000]  }
0x129: {  	v1 =	vadd.f32 v3, v1  }
0x12a: {  	v3 =	vld [tilespmem:s31+$0x6200]  }
0x12b: {  	v1 =	vadd.f32 v62, v1  }
0x12c: {  	v63 =	vld [tilespmem:s31+$0x6400]  }
0x12d: {  	v1 =	vadd.f32 v2, v1  }
0x12e: {  	v2 =	vld [tilespmem:s31+$0x6600]  }
0x12f: {  	v1 =	vadd.f32 v3, v1;
	_ =	sdelay $0x1  }
0x130: {  	v1 =	vadd.f32 v63, v1;
	_ =	sdelay $0x1  }
0x131: {  	v1 =	vadd.f32 v2, v1  }
0x132: {  	s0 =	simm.s32 $0x6880  }
0x133: {  	s6 =	simm.s32 $0x3410;
	[tilespmem:s0+$0x0] =	vst v1  }
0x134: {  	s1 =	simm.s32 $0x6880;
	s7 =	simm.s32 $0x10;
	s8 =	simm.s32 $0x20;
	v1 =	vld [tilespmem:s6+$0x0]  }
.LBB2_2:
0x135: {  	p0 =	sne.s32 s8, $0x1F0;
	s9 =	sand.u32 $0x1F0, s7;
	s7 =	smov.u32 s8  }
0x136: {  	v2 =	vld [tilespmem:s9+$0x3600];
	_ =	sdelay $0x1  }
0x137: {  	v3 =	vld [tilespmem:s9+$0x3800]  }
0x138: {  	v1 =	vadd.f32 v1, v0  }
0x139: {  	v4 =	vld [tilespmem:s9+$0x3A00]  }
0x13a: {  	v1 =	vadd.f32 v2, v1  }
0x13b: {  	v2 =	vld [tilespmem:s9+$0x3C00]  }
0x13c: {  	v1 =	vadd.f32 v3, v1  }
0x13d: {  	v3 =	vld [tilespmem:s9+$0x3E00]  }
0x13e: {  	v1 =	vadd.f32 v4, v1  }
0x13f: {  	v4 =	vld [tilespmem:s9+$0x4000]  }
0x140: {  	v1 =	vadd.f32 v2, v1  }
0x141: {  	v2 =	vld [tilespmem:s9+$0x4200]  }
0x142: {  	v1 =	vadd.f32 v3, v1  }
0x143: {  	v3 =	vld [tilespmem:s9+$0x4400]  }
0x144: {  	v1 =	vadd.f32 v4, v1  }
0x145: {  	v4 =	vld [tilespmem:s9+$0x4600]  }
0x146: {  	v1 =	vadd.f32 v2, v1  }
0x147: {  	v2 =	vld [tilespmem:s9+$0x4800]  }
0x148: {  	v1 =	vadd.f32 v3, v1  }
0x149: {  	v3 =	vld [tilespmem:s9+$0x4A00]  }
0x14a: {  	v1 =	vadd.f32 v4, v1  }
0x14b: {  	v4 =	vld [tilespmem:s9+$0x4C00]  }
0x14c: {  	v1 =	vadd.f32 v2, v1  }
0x14d: {  	v2 =	vld [tilespmem:s9+$0x4E00]  }
0x14e: {  	v1 =	vadd.f32 v3, v1  }
0x14f: {  	v3 =	vld [tilespmem:s9+$0x5000]  }
0x150: {  	v1 =	vadd.f32 v4, v1  }
0x151: {  	v4 =	vld [tilespmem:s9+$0x5200]  }
0x152: {  	v1 =	vadd.f32 v2, v1  }
0x153: {  	v2 =	vld [tilespmem:s9+$0x5400]  }
0x154: {  	v1 =	vadd.f32 v3, v1  }
0x155: {  	v3 =	vld [tilespmem:s9+$0x5600]  }
0x156: {  	v1 =	vadd.f32 v4, v1  }
0x157: {  	v4 =	vld [tilespmem:s9+$0x5800]  }
0x158: {  	v1 =	vadd.f32 v2, v1  }
0x159: {  	v2 =	vld [tilespmem:s9+$0x5A00]  }
0x15a: {  	v1 =	vadd.f32 v3, v1  }
0x15b: {  	v3 =	vld [tilespmem:s9+$0x5C00]  }
0x15c: {  	v1 =	vadd.f32 v4, v1  }
0x15d: {  	v4 =	vld [tilespmem:s9+$0x5E00]  }
0x15e: {  	v1 =	vadd.f32 v2, v1  }
0x15f: {  	v2 =	vld [tilespmem:s9+$0x6000]  }
0x160: {  	v1 =	vadd.f32 v3, v1  }
0x161: {  	v3 =	vld [tilespmem:s9+$0x6200]  }
0x162: {  	v1 =	vadd.f32 v4, v1  }
0x163: {  	v4 =	vld [tilespmem:s9+$0x6400]  }
0x164: {  	v1 =	vadd.f32 v2, v1  }
0x165: {  	v2 =	vld [tilespmem:s9+$0x6600]  }
0x166: {  	v1 =	vadd.f32 v3, v1;
	_ =	sdelay $0x1  }
0x167: {  	v1 =	vadd.f32 v4, v1  }
.Ltmp0:
0x168: {  	(pc) =	sbr.rel @p0 .LBB2_2-.Ltmp0, $4  }
0x169: {  	v1 =	vadd.f32 v2, v1  }
0x16a: {  	s1 =	sadd.s32 $0x10, s1  }
0x16b: {  	s6 =	sadd.s32 $0x10, s6;
	[tilespmem:s1+$0x0] =	vst v1  }
0x16c: {  	s8 =	sadd.s32 $0x10, s8;
	v1 =	vld [tilespmem:s6+$0x0]  }
0x16d: {  	s6 =	sand.u32 $0x1F0, s7  }
0x16e: {  	v2 =	vld [tilespmem:s6+$0x3600];
	_ =	sdelay $0x1  }
0x16f: {  	v3 =	vld [tilespmem:s6+$0x3800]  }
0x170: {  	v0 =	vadd.f32 v1, v0  }
0x171: {  	v41 =	vld [tilespmem:s6+$0x3A00]  }
0x172: {  	v0 =	vadd.f32 v2, v0  }
0x173: {  	v42 =	vld [tilespmem:s6+$0x3C00]  }
0x174: {  	v0 =	vadd.f32 v3, v0  }
0x175: {  	v43 =	vld [tilespmem:s6+$0x3E00]  }
0x176: {  	v0 =	vadd.f32 v41, v0  }
0x177: {  	v44 =	vld [tilespmem:s6+$0x4000]  }
0x178: {  	v0 =	vadd.f32 v42, v0  }
0x179: {  	v45 =	vld [tilespmem:s6+$0x4200]  }
0x17a: {  	v0 =	vadd.f32 v43, v0  }
0x17b: {  	v46 =	vld [tilespmem:s6+$0x4400]  }
0x17c: {  	v0 =	vadd.f32 v44, v0  }
0x17d: {  	v47 =	vld [tilespmem:s6+$0x4600]  }
0x17e: {  	v0 =	vadd.f32 v45, v0  }
0x17f: {  	v48 =	vld [tilespmem:s6+$0x4800]  }
0x180: {  	v0 =	vadd.f32 v46, v0  }
0x181: {  	v49 =	vld [tilespmem:s6+$0x4A00]  }
0x182: {  	v0 =	vadd.f32 v47, v0  }
0x183: {  	v50 =	vld [tilespmem:s6+$0x4C00]  }
0x184: {  	v0 =	vadd.f32 v48, v0  }
0x185: {  	v51 =	vld [tilespmem:s6+$0x4E00]  }
0x186: {  	v0 =	vadd.f32 v49, v0  }
0x187: {  	v52 =	vld [tilespmem:s6+$0x5000]  }
0x188: {  	v0 =	vadd.f32 v50, v0  }
0x189: {  	v53 =	vld [tilespmem:s6+$0x5200]  }
0x18a: {  	v0 =	vadd.f32 v51, v0  }
0x18b: {  	v54 =	vld [tilespmem:s6+$0x5400]  }
0x18c: {  	v0 =	vadd.f32 v52, v0  }
0x18d: {  	v55 =	vld [tilespmem:s6+$0x5600]  }
0x18e: {  	v0 =	vadd.f32 v53, v0  }
0x18f: {  	v56 =	vld [tilespmem:s6+$0x5800]  }
0x190: {  	v0 =	vadd.f32 v54, v0  }
0x191: {  	v57 =	vld [tilespmem:s6+$0x5A00]  }
0x192: {  	v0 =	vadd.f32 v55, v0  }
0x193: {  	v58 =	vld [tilespmem:s6+$0x5C00]  }
0x194: {  	v0 =	vadd.f32 v56, v0  }
0x195: {  	v59 =	vld [tilespmem:s6+$0x5E00]  }
0x196: {  	v0 =	vadd.f32 v57, v0  }
0x197: {  	v60 =	vld [tilespmem:s6+$0x6000]  }
0x198: {  	v0 =	vadd.f32 v58, v0  }
0x199: {  	v61 =	vld [tilespmem:s6+$0x6200]  }
0x19a: {  	v0 =	vadd.f32 v59, v0  }
0x19b: {  	v62 =	vld [tilespmem:s6+$0x6400]  }
0x19c: {  	v0 =	vadd.f32 v60, v0  }
0x19d: {  	v63 =	vld [tilespmem:s6+$0x6600]  }
0x19e: {  	v0 =	vadd.f32 v61, v0;
	_ =	sdelay $0x1  }
0x19f: {  	v0 =	vadd.f32 v62, v0;
	_ =	sdelay $0x1  }
0x1a0: {  	v0 =	vadd.f32 v63, v0  }
0x1a1: {  	s1 =	sadd.s32 $0x10, s1  }
0x1a2: {  	s29 =	rddreg [dreg:$0x9];
	s30 =	simm.s32 $0x2;
	[tilespmem:s1+$0x0] =	vst v0  }
0x1a3: {  	[hbm4b:s29+s4] =	stream.linear.scatter [tilespmem:s0], [sflag:$0x2], $0x200, $0x38;
	[tilespmem:$0x6A80] =	vst v63  }
0x1a4: {  	_ =	swait.ge [sflag:s30], $0x200  }
0x1a5: {  	s2 =	sld [smem:$0x7FC];
	_ =	sdelay $0x2  }
0x1a6: {  	s31 =	rddreg [dreg:$0xa];
	s2 =	sadd.s32 $0x1, s2  }
0x1a7: {  	p0 =	sne.s32 s2, s31  }
.Ltmp1:
0x1a8: {  	_ = 	snop;
	(pc) =	sbr.rel @p0 .LBB2_1-.Ltmp1, $3  }
0x1a9: {  	_ =	sdelay $0x1  }
0x1aa: {  	[sflag:s30] =	ssyncset.done $0x0  }
0x1ab: {  	[sflag:s30] =	ssyncadd.s32 $0xFFFFFE00  }
0x1ac: {  	_ =	sfence.sel $0x180000  }
0x1ad: {  	[bflag:$0x0] =	sbarrier.arrive $0xFFFF  }
0x1ae: {  	_ =	strace $0x90000047  }
0x1af: {  	s0 =	stileid.u32;
	[bflag:$0x2] =	sbarrier.arrive $0xFFFF  }
0x1b0: {  	p0 =	sne.s32 s0, $0x0;
	s0 =	rddreg [dreg:$0x4]  }
0x1b1: {  	s0 =	sadd.s32 @!p0 $0x100000, s0  }
0x1b2: {  	[sflag:s0] =	ssyncadd.tile.s32 @!p0 $0x1;
	_ =	shalt  }
.Lfunc_end2:
_tile_overlayer_lowered:
.L_overlay_start_2:
0x1b3: {  	(tag) =	ssettag $0x2  }
0x1b4: {  	s0 =	rddreg [dreg:$0x0];
	s2 =	stileid.u32  }
0x1b5: {  	s1 =	rddreg [dreg:$0x1];
	p0 =	sne.s32 s2, $0x0  }
0x1b6: {  	s3 =	rddreg [dreg:$0x2];
	[bflag:$0x3] =	sbarrier.arrive $0xFFFF;
	s2 =	simm.s32 @!p0 $0x1C02  }
0x1b7: {  	[timem:s3], [sflag:s2] =	dma.local @!p0 [hbm:s0], s1  }
0x1b8: {  	s0 =	simm.s32 @!p0 $0x2  }
0x1b9: {  	_ =	swait.ge @!p0 [sflag:s0], s1  }
0x1ba: {  	s1 =	ssub.s32 @!p0 $0x0, s1;
	[sflag:s0] =	ssyncset.done @!p0 $0x0  }
0x1bb: {  	[sflag:s0] =	ssyncadd.s32 @!p0 s1  }
0x1bc: {  	[bflag:$0x3] =	sbarrier.arrive $0xFFFF  }
0x1bd: {  	_ =	shalt  }

</sc_bundles>
